<compile_context>
chip_gen: v7x
topology: tpu7x:2x2x1
jax: 0.10.2.dev20260603
libtpu: 0.0.44.dev20260713+nightly
codegen_flags: <defaults>
</compile_context>

<pallas_src>
import functools

import jax
import jax.numpy as jnp
from jax import lax
from jax.experimental import pallas as pl
from jax.experimental.pallas import tpu as pltpu
from jax.experimental.pallas import tpu_sc as plsc

N = 100000
NP = 102400
TRASH = N
E = 6400000
NC, NS = 2, 16
NW = NC * NS
ROW = 128
RPW = 1568
CH = 7
ITERS = RPW // CH
ROWS_TOT = NW * RPW
E_PAD = ROWS_TOT * ROW
NSL = NP // NS
NV = NSL // 16
NPASS = 16
PR = NSL // NPASS
PV = PR * 8 // 16

_mesh = plsc.VectorSubcoreMesh(core_axis_name="c", subcore_axis_name="s")
_sc_params = pltpu.CompilerParams(use_tc_tiling_on_sc=False,
                                  needs_layout_passes=False)


def _newton_rsqrt(d):
    u = plsc.bitcast(d, jnp.int32)
    u = 0x5F3759DF - lax.shift_right_logical(u, 1)
    g = plsc.bitcast(u, jnp.float32)
    for _ in range(3):
        g = g * (1.5 - 0.5 * d * g * g)
    return g


@functools.partial(
    pl.kernel,
    out_type=jax.ShapeDtypeStruct((NC, NP), jnp.float32),
    mesh=_mesh,
    compiler_params=_sc_params,
    scratch_types=[
        pltpu.VMEM_SHARED((NP,), jnp.float32),
    ],
)
def _deg_kernel(dst_hbm, deg_out, deg_sh):
    cid = lax.axis_index("c")
    sid = lax.axis_index("s")
    wid = cid * NS + sid
    row0 = wid * RPW

    e0 = row0 * ROW
    CE = CH * ROW

    def scoped(zb, idx_a, idx_b, ones_v, isem_a, isem_b, sem_a, sem_b):
        zv = jnp.zeros((16,), jnp.float32)

        def zinit(v, carry):
            zb[pl.ds(v * 16, 16)] = zv
            return carry

        lax.fori_loop(0, NV, zinit, 0)

        def oinit(v, carry):
            ones_v[pl.ds(v * 16, 16)] = zv + 1.0
            return carry

        lax.fori_loop(0, CE // 16, oinit, 0)
        pltpu.sync_copy(zb, deg_sh.at[pl.ds(sid * NSL, NSL)])
        plsc.subcore_barrier()

        pltpu.sync_copy(dst_hbm.at[pl.ds(e0, CE)], idx_a)

        def body(j, carry):
            r = e0 + j * 2 * CE
            ib = pltpu.async_copy(dst_hbm.at[pl.ds(r + CE, CE)], idx_b, isem_b)
            sa = pltpu.async_copy(ones_v, deg_sh.at[idx_a], sem_a, add=True)
            ib.wait()
            sb = pltpu.async_copy(ones_v, deg_sh.at[idx_b], sem_b, add=True)
            sa.wait()
            nxt = e0 + ((2 * j + 2) % ITERS) * CE
            ia = pltpu.async_copy(dst_hbm.at[pl.ds(nxt, CE)], idx_a, isem_a)
            sb.wait()
            ia.wait()
            return carry

        lax.fori_loop(0, ITERS // 2, body, 0)
        plsc.subcore_barrier()
        pltpu.sync_copy(deg_sh.at[pl.ds(sid * NSL, NSL)],
                        deg_out.at[cid, pl.ds(sid * NSL, NSL)])

    pl.run_scoped(scoped,
                  pltpu.VMEM((NSL,), jnp.float32),
                  pltpu.VMEM((CH * ROW,), jnp.int32),
                  pltpu.VMEM((CH * ROW,), jnp.int32),
                  pltpu.VMEM((CH * ROW,), jnp.float32),
                  pltpu.SemaphoreType.DMA,
                  pltpu.SemaphoreType.DMA,
                  pltpu.SemaphoreType.DMA,
                  pltpu.SemaphoreType.DMA)


@functools.partial(
    pl.kernel,
    out_type=jax.ShapeDtypeStruct((NC, NP, 8), jnp.float32),
    mesh=_mesh,
    compiler_params=_sc_params,
    scratch_types=[
        pltpu.VMEM_SHARED((NP, 8), jnp.float32),
        pltpu.VMEM_SHARED((NP, 8), jnp.float32),
    ],
)
def _agg_kernel(src_hbm, dst_hbm, x_hbm, deg_hbm, agg_out, y_sh, s_sh):
    cid = lax.axis_index("c")
    sid = lax.axis_index("s")
    wid = cid * NS + sid
    row0 = wid * RPW
    sl1 = pl.ds(sid * NSL, NSL)
    sl2 = pl.ds(sid * NSL, NSL)
    iota = lax.iota(jnp.int32, 16)
    rbase = lax.shift_right_logical(iota, 3)
    cols = jnp.bitwise_and(iota, 7)

    def scoped(xb, dinvb, d0b, d1b, src_a, dst_a, src_b, dst_b, rows_a, rows_b,
               isem_a, isem_b, gsem_a, gsem_b, ssem_a, ssem_b):
        def dinv_pass(h):
            slh1 = pl.ds(sid * NSL + h * PR, PR)
            pltpu.sync_copy(deg_hbm.at[0, slh1], d0b)
            pltpu.sync_copy(deg_hbm.at[1, slh1], d1b)

            def dloop(v, carry):
                ds = pl.ds(v * 16, 16)
                dinvb[ds] = _newton_rsqrt(d0b[ds] + d1b[ds] + 1.0)
                return carry

            lax.fori_loop(0, PR // 16, dloop, 0)

        def stage1(h, carry):
            slh = pl.ds(sid * NSL + h * PR, PR)
            dinv_pass(h)
            pltpu.sync_copy(x_hbm.at[slh], xb)

            def yloop(j, carry):
                for k in range(4):
                    v = j * 4 + k
                    rows = rbase + 2 * v
                    xv = plsc.load_gather(xb, [rows, cols])
                    dv = plsc.load_gather(dinvb, [rows])
                    plsc.store_scatter(xb, [rows, cols], dv * xv)
                return carry

            lax.fori_loop(0, PV // 4, yloop, 0)
            pltpu.sync_copy(xb, y_sh.at[slh])

            @pl.when(cid == 1)
            def _():
                zv = jnp.zeros((16,), jnp.float32)

                def zloop(j, carry):
                    for k in range(4):
                        v = j * 4 + k
                        plsc.store_scatter(xb, [rbase + 2 * v, cols], zv)
                    return carry

                lax.fori_loop(0, PV // 4, zloop, 0)

            pltpu.sync_copy(xb, s_sh.at[slh])
            return carry

        lax.fori_loop(0, NPASS, stage1, 0)
        plsc.subcore_barrier()

        e0 = row0 * ROW
        CE = CH * ROW

        pltpu.sync_copy(src_hbm.at[pl.ds(e0, CE)], src_b)
        pltpu.sync_copy(dst_hbm.at[pl.ds(e0, CE)], dst_b)
        pltpu.async_copy(y_sh.at[src_b], rows_b, gsem_b).wait()
        pltpu.async_copy(rows_b, s_sh.at[dst_b], ssem_b, add=True)
        pltpu.sync_copy(src_hbm.at[pl.ds(e0 + CE, CE)], src_a)
        pltpu.sync_copy(dst_hbm.at[pl.ds(e0 + CE, CE)], dst_a)

        def body(j, carry):
            r = e0 + (2 * j + 1) * CE
            ga = pltpu.async_copy(y_sh.at[src_a], rows_a, gsem_a)
            pltpu.make_async_copy(rows_b, s_sh.at[dst_b], ssem_b).wait()
            ib1 = pltpu.async_copy(src_hbm.at[pl.ds(r + CE, CE)], src_b, isem_b)
            ib2 = pltpu.async_copy(dst_hbm.at[pl.ds(r + CE, CE)], dst_b, isem_b)
            ga.wait()
            sa = pltpu.async_copy(rows_a, s_sh.at[dst_a], ssem_a, add=True)
            ib1.wait()
            ib2.wait()
            gb = pltpu.async_copy(y_sh.at[src_b], rows_b, gsem_b)
            sa.wait()
            nxt = e0 + ((2 * j + 3) % ITERS) * CE
            ia1 = pltpu.async_copy(src_hbm.at[pl.ds(nxt, CE)], src_a, isem_a)
            ia2 = pltpu.async_copy(dst_hbm.at[pl.ds(nxt, CE)], dst_a, isem_a)
            gb.wait()
            pltpu.async_copy(rows_b, s_sh.at[dst_b], ssem_b, add=True)
            ia1.wait()
            ia2.wait()
            return carry

        lax.fori_loop(0, (ITERS - 2) // 2, body, 0)

        pltpu.make_async_copy(rows_b, s_sh.at[dst_b], ssem_b).wait()
        pltpu.async_copy(y_sh.at[src_a], rows_a, gsem_a).wait()
        pltpu.async_copy(rows_a, s_sh.at[dst_a], ssem_a, add=True).wait()
        plsc.subcore_barrier()

        def stage3(h, carry):
            slh = pl.ds(sid * NSL + h * PR, PR)
            dinv_pass(h)
            pltpu.sync_copy(s_sh.at[slh], xb)

            def aloop(j, carry):
                for k in range(4):
                    v = j * 4 + k
                    rows = rbase + 2 * v
                    sv = plsc.load_gather(xb, [rows, cols])
                    dv = plsc.load_gather(dinvb, [rows])
                    plsc.store_scatter(xb, [rows, cols], dv * sv)
                return carry

            lax.fori_loop(0, PV // 4, aloop, 0)
            pltpu.sync_copy(xb, agg_out.at[cid, slh])
            return carry

        lax.fori_loop(0, NPASS, stage3, 0)

    pl.run_scoped(scoped,
                  pltpu.VMEM((PR, 8), jnp.float32),
                  pltpu.VMEM((PR,), jnp.float32),
                  pltpu.VMEM((PR,), jnp.float32),
                  pltpu.VMEM((PR,), jnp.float32),
                  pltpu.VMEM((CH * ROW,), jnp.int32),
                  pltpu.VMEM((CH * ROW,), jnp.int32),
                  pltpu.VMEM((CH * ROW,), jnp.int32),
                  pltpu.VMEM((CH * ROW,), jnp.int32),
                  pltpu.VMEM((CH * ROW, 8), jnp.float32),
                  pltpu.VMEM((CH * ROW, 8), jnp.float32),
                  pltpu.SemaphoreType.DMA,
                  pltpu.SemaphoreType.DMA,
                  pltpu.SemaphoreType.DMA,
                  pltpu.SemaphoreType.DMA,
                  pltpu.SemaphoreType.DMA,
                  pltpu.SemaphoreType.DMA)


def _hidden_body(a_ref, w_ref, b_ref, hid_ref):
    agg = a_ref[0] + a_ref[1]
    hid_ref[...] = (
        jnp.dot(agg, w_ref[...], preferred_element_type=jnp.float32) + b_ref[...]
    )


def _hidden(agg_parts, W, b2):
    blk = 2000
    grid = (N // blk,)
    return pl.pallas_call(
        _hidden_body,
        grid=grid,
        in_specs=[
            pl.BlockSpec((NC, blk, 8), lambda i: (0, i, 0)),
            pl.BlockSpec((8, 16), lambda i: (0, 0)),
            pl.BlockSpec((1, 16), lambda i: (0, 0)),
        ],
        out_specs=pl.BlockSpec((blk, 16), lambda i: (i, 0)),
        out_shape=jax.ShapeDtypeStruct((N, 16), jnp.float32),
    )(agg_parts, W, b2)


def _lin_body(h_ref, wl_ref, bl_ref, out_ref):
    h = jnp.maximum(h_ref[...], 0.0)
    out_ref[...] = (
        jnp.dot(h, wl_ref[...], preferred_element_type=jnp.float32) + bl_ref[...]
    )


def _linear(h2, Wl, bl2):
    blk = 2000
    grid = (N // 5 // blk,)
    return pl.pallas_call(
        _lin_body,
        grid=grid,
        in_specs=[
            pl.BlockSpec((blk, 80), lambda i: (i, 0)),
            pl.BlockSpec((80, 445), lambda i: (0, 0)),
            pl.BlockSpec((1, 445), lambda i: (0, 0)),
        ],
        out_specs=pl.BlockSpec((blk, 445), lambda i: (i, 0)),
        out_shape=jax.ShapeDtypeStruct((N // 5, 445), jnp.float32),
    )(h2, Wl, bl2)


def kernel(x, edge_index, W, b, Wl, bl):
    src = edge_index[0]
    dst = edge_index[1]
    pad = jnp.full((E_PAD - E,), TRASH, dtype=jnp.int32)
    src_p = jnp.concatenate([src, pad])
    dst_p = jnp.concatenate([dst, pad])
    x_pad = jnp.pad(x, ((0, NP - N), (0, 0)))

    deg_parts = _deg_kernel(dst_p)
    agg_parts = _agg_kernel(src_p, dst_p, x_pad, deg_parts)
    hidden = _hidden(agg_parts, W, b.reshape(1, 16))
    h2 = hidden.reshape(N // 5, 80)
    out = _linear(h2, Wl, bl.reshape(1, 445)).reshape(N // 5, 89, 5)
    return (out, hidden)

# --- scband reference (transcript-rebuilt; emitter-appended) ---
"""Pipeline reference for scband-gcn-17343077941803 (READ-ONLY COPY).

The authoritative reference and input builder live on the scoring server;
editing this copy changes nothing except your own understanding.
"""

import jax, jax.numpy as jnp
import numpy as np

N_NODES = 100000
N_EDGES = 6400000


def setup_inputs(seed: int = 0) -> dict:
    key = jax.random.key(seed)
    k1, k2, k3, k4, k5, k6 = jax.random.split(key, 6)
    x = jax.random.normal(k1, (N_NODES, 8), dtype=jnp.float32)
    edge_index = jax.random.randint(k2, (2, N_EDGES), 0, N_NODES, dtype=jnp.int32)
    # GCNConv(8, 16) params
    W = jax.random.normal(k3, (8, 16), dtype=jnp.float32) * (1.0 / np.sqrt(8))
    b = jnp.zeros((16,), dtype=jnp.float32)
    # nn.Linear(80, 445) params (stored as [in, out] for x @ Wl)
    Wl = jax.random.normal(k4, (80, 445), dtype=jnp.float32) * (1.0 / np.sqrt(80))
    bl = jax.random.normal(k5, (445,), dtype=jnp.float32) * 0.01
    return {"x": x, "edge_index": edge_index, "W": W, "b": b, "Wl": Wl, "bl": bl}


def _gcn_conv(x, edge_index, W, b):
    n = x.shape[0]
    src = edge_index[0]
    dst = edge_index[1]
    # add self loops (PyG GCNConv default add_self_loops=True)
    loop = jnp.arange(n, dtype=src.dtype)
    src = jnp.concatenate([src, loop])
    dst = jnp.concatenate([dst, loop])
    # symmetric normalization D^{-1/2} (A+I) D^{-1/2}
    deg = jax.ops.segment_sum(jnp.ones(src.shape[0], dtype=x.dtype), dst, num_segments=n)
    dinv = jnp.where(deg > 0, 1.0 / jnp.sqrt(deg), 0.0)
    norm = dinv[src] * dinv[dst]
    xw = x @ W
    msg = norm[:, None] * jnp.take(xw, src, axis=0)
    out = jax.ops.segment_sum(msg, dst, num_segments=n) + b
    return out


def reference(x, edge_index, W, b, Wl, bl):
    hidden = _gcn_conv(x, edge_index, W, b)
    h = jax.nn.relu(hidden)
    h = h.reshape(-1, 16 * 5)
    out = (h @ Wl + bl).reshape(-1, 89, 5)
    return (out, hidden)

if __name__ == "__main__":
    import jax
    _d = setup_inputs()
    print(jax.jit(kernel)(*tuple(_d.values())))

</pallas_src>

<mosaic_0001>
#map = affine_map<(d0, d1) -> (0)>
#map1 = affine_map<(d0, d1) -> (0, 0)>
#map2 = affine_map<(d0, d1) -> (0, 0, 0)>
module attributes {stable_mosaic.version = 14 : i64} {
  func.func @_agg_kernel(%arg0: i32, %arg1: i32, %arg2: memref<6422528xi32, #tpu.memory_space<hbm>>, %arg3: memref<6422528xi32, #tpu.memory_space<hbm>>, %arg4: memref<102400x8xf32, #tpu.memory_space<hbm>>, %arg5: memref<2x102400xf32, #tpu.memory_space<hbm>>, %arg6: memref<2x102400x8xf32, #tpu.memory_space<hbm>>, %arg7: memref<102400x8xf32, #tpu.memory_space<vmem_shared>>, %arg8: memref<102400x8xf32, #tpu.memory_space<vmem_shared>>) attributes {dimension_semantics = [#tpu.dimension_semantics<core_parallel>, #tpu.dimension_semantics<subcore_parallel>], iteration_bounds = array<i64: 2, 16>, scalar_prefetch = 0 : i64, scratch_operands = 2 : i64, tpu.core_type = #tpu.core_type<sc_vector_subcore>, window_params = [{transform_indices = #map}, {transform_indices = #map}, {transform_indices = #map1}, {transform_indices = #map1}, {transform_indices = #map2}]} {
    %mul3A = arith.constant 16 : i32
    %mul3A_0 = arith.muli %arg0, %mul3A : i32
    %add3A = arith.addi %mul3A_0, %arg1 : i32
    %mul3A_1 = arith.constant 1568 : i32
    %mul3A_2 = arith.muli %add3A, %mul3A_1 : i32
    %mul3A_3 = arith.constant 6400 : i32
    %mul3A_4 = arith.muli %arg1, %mul3A_3 : i32
    %mul3A_5 = arith.constant 6400 : i32
    %mul3A_6 = arith.muli %arg1, %mul3A_5 : i32
    %iota3A = tpu.iota {dimensions = array<i32: 0>} : vector<16xi32>
    %shift_right_logical3A = arith.constant 3 : i32
    %shift_right_logical3A_7 = vector.broadcast %shift_right_logical3A : i32 to vector<16xi32>
    %shift_right_logical3A_8 = arith.shrui %iota3A, %shift_right_logical3A_7 : vector<16xi32>
    %and3A = arith.constant 7 : i32
    %and3A_9 = vector.broadcast %and3A : i32 to vector<16xi32>
    %and3A_10 = arith.andi %iota3A, %and3A_9 : vector<16xi32>
    "tpu.region"() ({
      %run_scoped3A = memref.alloca() : memref<400x8xf32, #tpu.memory_space<vmem>>
      %run_scoped3A_11 = memref.alloca() : memref<400xf32, #tpu.memory_space<vmem>>
      %run_scoped3A_12 = memref.alloca() : memref<400xf32, #tpu.memory_space<vmem>>
      %run_scoped3A_13 = memref.alloca() : memref<400xf32, #tpu.memory_space<vmem>>
      %run_scoped3A_14 = memref.alloca() : memref<896xi32, #tpu.memory_space<vmem>>
      %run_scoped3A_15 = memref.alloca() : memref<896xi32, #tpu.memory_space<vmem>>
      %run_scoped3A_16 = memref.alloca() : memref<896xi32, #tpu.memory_space<vmem>>
      %run_scoped3A_17 = memref.alloca() : memref<896xi32, #tpu.memory_space<vmem>>
      %run_scoped3A_18 = memref.alloca() : memref<896x8xf32, #tpu.memory_space<vmem>>
      %run_scoped3A_19 = memref.alloca() : memref<896x8xf32, #tpu.memory_space<vmem>>
      %run_scoped3A_20 = tpu.sem_alloc : memref<!tpu.dma_semaphore, #tpu.memory_space<semaphore_mem>>
      %run_scoped3A_21 = tpu.sem_alloc : memref<!tpu.dma_semaphore, #tpu.memory_space<semaphore_mem>>
      %run_scoped3A_22 = tpu.sem_alloc : memref<!tpu.dma_semaphore, #tpu.memory_space<semaphore_mem>>
      %run_scoped3A_23 = tpu.sem_alloc : memref<!tpu.dma_semaphore, #tpu.memory_space<semaphore_mem>>
      %run_scoped3A_24 = tpu.sem_alloc : memref<!tpu.dma_semaphore, #tpu.memory_space<semaphore_mem>>
      %run_scoped3A_25 = tpu.sem_alloc : memref<!tpu.dma_semaphore, #tpu.memory_space<semaphore_mem>>
      %scan3A = arith.constant 0 : i32
      %scan3A_26 = arith.constant 0 : i32
      %scan3A_27 = arith.constant 16 : i32
      %scan3A_28 = arith.addi %scan3A_26, %scan3A_27 : i32
      %scan3A_29 = arith.constant 1 : i32
      scf.for %scan3A_72 = %scan3A_26 to %scan3A_28 step %scan3A_29  : i32 {
        %mul3A_73 = arith.constant 6400 : i32
        %mul3A_74 = arith.muli %arg1, %mul3A_73 : i32
        %mul3A_75 = arith.constant 400 : i32
        %mul3A_76 = arith.muli %scan3A_72, %mul3A_75 : i32
        %add3A_77 = arith.addi %mul3A_74, %mul3A_76 : i32
        %mul3A_78 = arith.constant 6400 : i32
        %mul3A_79 = arith.muli %arg1, %mul3A_78 : i32
        %mul3A_80 = arith.constant 400 : i32
        %mul3A_81 = arith.muli %scan3A_72, %mul3A_80 : i32
        %add3A_82 = arith.addi %mul3A_79, %mul3A_81 : i32
        %run_scoped3A_83 = arith.constant 0 : i32
        "tpu.region"() ({
          %run_scoped3A_99 = tpu.sem_alloc : memref<!tpu.dma_semaphore, #tpu.memory_space<semaphore_mem>>
          %dma_start3A_100 = tpu.memref_slice %arg5[%run_scoped3A_83, %add3A_82] : memref<2x102400xf32, #tpu.memory_space<hbm>> -> memref<1x400xf32, #tpu.memory_space<hbm>>
          %dma_start3A_101 = tpu.memref_squeeze %dma_start3A_100 : memref<1x400xf32, #tpu.memory_space<hbm>> -> memref<400xf32, #tpu.memory_space<hbm>>
          %dma_start3A_102 = tpu.memref_slice %arg5[%run_scoped3A_83, %add3A_82] : memref<2x102400xf32, #tpu.memory_space<hbm>> -> memref<1x400xf32, #tpu.memory_space<hbm>>
          %dma_start3A_103 = tpu.memref_squeeze %dma_start3A_102 : memref<1x400xf32, #tpu.memory_space<hbm>> -> memref<400xf32, #tpu.memory_space<hbm>>
          tpu.enqueue_dma source(%dma_start3A_103 : memref<400xf32, #tpu.memory_space<hbm>>) target(%run_scoped3A_12 : memref<400xf32, #tpu.memory_space<vmem>>) target_semaphore(%run_scoped3A_99 : memref<!tpu.dma_semaphore, #tpu.memory_space<semaphore_mem>>)
          %dma_wait3A_104 = tpu.memref_slice %arg5[%run_scoped3A_83, %add3A_82] : memref<2x102400xf32, #tpu.memory_space<hbm>> -> memref<1x400xf32, #tpu.memory_space<hbm>>
          %dma_wait3A_105 = tpu.memref_squeeze %dma_wait3A_104 : memref<1x400xf32, #tpu.memory_space<hbm>> -> memref<400xf32, #tpu.memory_space<hbm>>
          %dma_wait3A_106 = tpu.memref_slice %arg5[%run_scoped3A_83, %add3A_82] : memref<2x102400xf32, #tpu.memory_space<hbm>> -> memref<1x400xf32, #tpu.memory_space<hbm>>
          %dma_wait3A_107 = tpu.memref_squeeze %dma_wait3A_106 : memref<1x400xf32, #tpu.memory_space<hbm>> -> memref<400xf32, #tpu.memory_space<hbm>>
          tpu.wait_dma2 semaphore(%run_scoped3A_99 : memref<!tpu.dma_semaphore, #tpu.memory_space<semaphore_mem>>) src(%dma_wait3A_107 : memref<400xf32, #tpu.memory_space<hbm>>) dst(%run_scoped3A_12 : memref<400xf32, #tpu.memory_space<vmem>>)
          tpu.yield
        }) : () -> ()
        %run_scoped3A_84 = arith.constant 1 : i32
        "tpu.region"() ({
          %run_scoped3A_99 = tpu.sem_alloc : memref<!tpu.dma_semaphore, #tpu.memory_space<semaphore_mem>>
          %dma_start3A_100 = tpu.memref_slice %arg5[%run_scoped3A_84, %add3A_82] : memref<2x102400xf32, #tpu.memory_space<hbm>> -> memref<1x400xf32, #tpu.memory_space<hbm>>
          %dma_start3A_101 = tpu.memref_squeeze %dma_start3A_100 : memref<1x400xf32, #tpu.memory_space<hbm>> -> memref<400xf32, #tpu.memory_space<hbm>>
          %dma_start3A_102 = tpu.memref_slice %arg5[%run_scoped3A_84, %add3A_82] : memref<2x102400xf32, #tpu.memory_space<hbm>> -> memref<1x400xf32, #tpu.memory_space<hbm>>
          %dma_start3A_103 = tpu.memref_squeeze %dma_start3A_102 : memref<1x400xf32, #tpu.memory_space<hbm>> -> memref<400xf32, #tpu.memory_space<hbm>>
          tpu.enqueue_dma source(%dma_start3A_103 : memref<400xf32, #tpu.memory_space<hbm>>) target(%run_scoped3A_13 : memref<400xf32, #tpu.memory_space<vmem>>) target_semaphore(%run_scoped3A_99 : memref<!tpu.dma_semaphore, #tpu.memory_space<semaphore_mem>>)
          %dma_wait3A_104 = tpu.memref_slice %arg5[%run_scoped3A_84, %add3A_82] : memref<2x102400xf32, #tpu.memory_space<hbm>> -> memref<1x400xf32, #tpu.memory_space<hbm>>
          %dma_wait3A_105 = tpu.memref_squeeze %dma_wait3A_104 : memref<1x400xf32, #tpu.memory_space<hbm>> -> memref<400xf32, #tpu.memory_space<hbm>>
          %dma_wait3A_106 = tpu.memref_slice %arg5[%run_scoped3A_84, %add3A_82] : memref<2x102400xf32, #tpu.memory_space<hbm>> -> memref<1x400xf32, #tpu.memory_space<hbm>>
          %dma_wait3A_107 = tpu.memref_squeeze %dma_wait3A_106 : memref<1x400xf32, #tpu.memory_space<hbm>> -> memref<400xf32, #tpu.memory_space<hbm>>
          tpu.wait_dma2 semaphore(%run_scoped3A_99 : memref<!tpu.dma_semaphore, #tpu.memory_space<semaphore_mem>>) src(%dma_wait3A_107 : memref<400xf32, #tpu.memory_space<hbm>>) dst(%run_scoped3A_13 : memref<400xf32, #tpu.memory_space<vmem>>)
          tpu.yield
        }) : () -> ()
        %scan3A_85 = arith.constant 0 : i32
        %scan3A_86 = arith.constant 0 : i32
        %scan3A_87 = arith.constant 25 : i32
        %scan3A_88 = arith.addi %scan3A_86, %scan3A_87 : i32
        %scan3A_89 = arith.constant 1 : i32
        scf.for %scan3A_99 = %scan3A_86 to %scan3A_88 step %scan3A_89  : i32 {
          %mul3A_100 = arith.constant 16 : i32
          %mul3A_101 = arith.muli %scan3A_99, %mul3A_100 : i32
          %get3A = arith.index_cast %mul3A_101 : i32 to index
          %get3A_102 = tpu.vector_load %run_scoped3A_12[%get3A] {strides = array<i32>} : memref<400xf32, #tpu.memory_space<vmem>>, vector<16xf32>,
          %get3A_103 = arith.index_cast %mul3A_101 : i32 to index
          %get3A_104 = tpu.vector_load %run_scoped3A_13[%get3A_103] {strides = array<i32>} : memref<400xf32, #tpu.memory_space<vmem>>, vector<16xf32>,
          %add3A_105 = arith.addf %get3A_102, %get3A_104 : vector<16xf32>
          %add3A_106 = arith.constant 1.000000e+00 : f32
          %add3A_107 = vector.broadcast %add3A_106 : f32 to vector<16xf32>
          %add3A_108 = arith.addf %add3A_105, %add3A_107 : vector<16xf32>
          %bitcast3A = vector.bitcast %add3A_108 : vector<16xf32> to vector<16xi32>
          %shift_right_logical3A_109 = arith.constant 1 : i32
          %shift_right_logical3A_110 = vector.broadcast %shift_right_logical3A_109 : i32 to vector<16xi32>
          %shift_right_logical3A_111 = arith.shrui %bitcast3A, %shift_right_logical3A_110 : vector<16xi32>
          %sub3A = arith.constant 1597463007 : i32
          %sub3A_112 = vector.broadcast %sub3A : i32 to vector<16xi32>
          %sub3A_113 = arith.subi %sub3A_112, %shift_right_logical3A_111 : vector<16xi32>
          %bitcast3A_114 = vector.bitcast %sub3A_113 : vector<16xi32> to vector<16xf32>
          %mul3A_115 = arith.constant 5.000000e-01 : f32
          %mul3A_116 = vector.broadcast %mul3A_115 : f32 to vector<16xf32>
          %mul3A_117 = arith.mulf %mul3A_116, %add3A_108 : vector<16xf32>
          %mul3A_118 = arith.mulf %mul3A_117, %bitcast3A_114 : vector<16xf32>
          %mul3A_119 = arith.mulf %mul3A_118, %bitcast3A_114 : vector<16xf32>
          %sub3A_120 = arith.constant 1.500000e+00 : f32
          %sub3A_121 = vector.broadcast %sub3A_120 : f32 to vector<16xf32>
          %sub3A_122 = arith.subf %sub3A_121, %mul3A_119 : vector<16xf32>
          %mul3A_123 = arith.mulf %bitcast3A_114, %sub3A_122 : vector<16xf32>
          %mul3A_124 = arith.constant 5.000000e-01 : f32
          %mul3A_125 = vector.broadcast %mul3A_124 : f32 to vector<16xf32>
          %mul3A_126 = arith.mulf %mul3A_125, %add3A_108 : vector<16xf32>
          %mul3A_127 = arith.mulf %mul3A_126, %mul3A_123 : vector<16xf32>
          %mul3A_128 = arith.mulf %mul3A_127, %mul3A_123 : vector<16xf32>
          %sub3A_129 = arith.constant 1.500000e+00 : f32
          %sub3A_130 = vector.broadcast %sub3A_129 : f32 to vector<16xf32>
          %sub3A_131 = arith.subf %sub3A_130, %mul3A_128 : vector<16xf32>
          %mul3A_132 = arith.mulf %mul3A_123, %sub3A_131 : vector<16xf32>
          %mul3A_133 = arith.constant 5.000000e-01 : f32
          %mul3A_134 = vector.broadcast %mul3A_133 : f32 to vector<16xf32>
          %mul3A_135 = arith.mulf %mul3A_134, %add3A_108 : vector<16xf32>
          %mul3A_136 = arith.mulf %mul3A_135, %mul3A_132 : vector<16xf32>
          %mul3A_137 = arith.mulf %mul3A_136, %mul3A_132 : vector<16xf32>
          %sub3A_138 = arith.constant 1.500000e+00 : f32
          %sub3A_139 = vector.broadcast %sub3A_138 : f32 to vector<16xf32>
          %sub3A_140 = arith.subf %sub3A_139, %mul3A_137 : vector<16xf32>
          %mul3A_141 = arith.mulf %mul3A_132, %sub3A_140 : vector<16xf32>
          %swap3A = arith.index_cast %mul3A_101 : i32 to index
          %swap3A_142 = tpu.vector_load %run_scoped3A_11[%swap3A] {strides = array<i32>} : memref<400xf32, #tpu.memory_space<vmem>>, vector<16xf32>,
          tpu.vector_store %run_scoped3A_11[%swap3A], %mul3A_141 {strides = array<i32>} : memref<400xf32, #tpu.memory_space<vmem>>, vector<16xf32>,
        }
        %scan3A_90 = arith.constant 25 : i32
        "tpu.region"() ({
          %run_scoped3A_99 = tpu.sem_alloc : memref<!tpu.dma_semaphore, #tpu.memory_space<semaphore_mem>>
          %dma_start3A_100 = arith.constant 0 : i32
          %dma_start3A_101 = tpu.memref_slice %arg4[%add3A_77, %dma_start3A_100] : memref<102400x8xf32, #tpu.memory_space<hbm>> -> memref<400x8xf32, #tpu.memory_space<hbm>>
          %dma_start3A_102 = arith.constant 0 : i32
          %dma_start3A_103 = tpu.memref_slice %arg4[%add3A_77, %dma_start3A_102] : memref<102400x8xf32, #tpu.memory_space<hbm>> -> memref<400x8xf32, #tpu.memory_space<hbm>>
          tpu.enqueue_dma source(%dma_start3A_103 : memref<400x8xf32, #tpu.memory_space<hbm>>) target(%run_scoped3A : memref<400x8xf32, #tpu.memory_space<vmem>>) target_semaphore(%run_scoped3A_99 : memref<!tpu.dma_semaphore, #tpu.memory_space<semaphore_mem>>)
          %dma_wait3A_104 = arith.constant 0 : i32
          %dma_wait3A_105 = tpu.memref_slice %arg4[%add3A_77, %dma_wait3A_104] : memref<102400x8xf32, #tpu.memory_space<hbm>> -> memref<400x8xf32, #tpu.memory_space<hbm>>
          %dma_wait3A_106 = arith.constant 0 : i32
          %dma_wait3A_107 = tpu.memref_slice %arg4[%add3A_77, %dma_wait3A_106] : memref<102400x8xf32, #tpu.memory_space<hbm>> -> memref<400x8xf32, #tpu.memory_space<hbm>>
          tpu.wait_dma2 semaphore(%run_scoped3A_99 : memref<!tpu.dma_semaphore, #tpu.memory_space<semaphore_mem>>) src(%dma_wait3A_107 : memref<400x8xf32, #tpu.memory_space<hbm>>) dst(%run_scoped3A : memref<400x8xf32, #tpu.memory_space<vmem>>)
          tpu.yield
        }) : () -> ()
        %scan3A_91 = arith.constant 0 : i32
        %scan3A_92 = arith.constant 0 : i32
        %scan3A_93 = arith.constant 50 : i32
        %scan3A_94 = arith.addi %scan3A_92, %scan3A_93 : i32
        %scan3A_95 = arith.constant 1 : i32
        scf.for %scan3A_99 = %scan3A_92 to %scan3A_94 step %scan3A_95  : i32 {
          %mul3A_100 = arith.constant 4 : i32
          %mul3A_101 = arith.muli %scan3A_99, %mul3A_100 : i32
          %add3A_102 = arith.constant 0 : i32
          %add3A_103 = arith.addi %mul3A_101, %add3A_102 : i32
          %mul3A_104 = arith.constant 2 : i32
          %mul3A_105 = arith.muli %mul3A_104, %add3A_103 : i32
          %add3A_106 = vector.broadcast %mul3A_105 : i32 to vector<16xi32>
          %add3A_107 = arith.addi %shift_right_logical3A_8, %add3A_106 : vector<16xi32>
          %gather3A = tpu.vector_load_idx %run_scoped3A[%add3A_107, %and3A_10] : memref<400x8xf32, #tpu.memory_space<vmem>>[vector<16xi32>, vector<16xi32>], vector<16xf32>,
          %gather3A_108 = tpu.vector_load_idx %run_scoped3A_11[%add3A_107] : memref<400xf32, #tpu.memory_space<vmem>>[vector<16xi32>], vector<16xf32>,
          %mul3A_109 = arith.mulf %gather3A_108, %gather3A : vector<16xf32>
          tpu.vector_store_idx %run_scoped3A[%add3A_107, %and3A_10], %mul3A_109 : memref<400x8xf32, #tpu.memory_space<vmem>>[vector<16xi32>, vector<16xi32>], vector<16xf32>,
          %mul3A_110 = arith.constant 4 : i32
          %mul3A_111 = arith.muli %scan3A_99, %mul3A_110 : i32
          %add3A_112 = arith.constant 1 : i32
          %add3A_113 = arith.addi %mul3A_111, %add3A_112 : i32
          %mul3A_114 = arith.constant 2 : i32
          %mul3A_115 = arith.muli %mul3A_114, %add3A_113 : i32
          %add3A_116 = vector.broadcast %mul3A_115 : i32 to vector<16xi32>
          %add3A_117 = arith.addi %shift_right_logical3A_8, %add3A_116 : vector<16xi32>
          %gather3A_118 = tpu.vector_load_idx %run_scoped3A[%add3A_117, %and3A_10] : memref<400x8xf32, #tpu.memory_space<vmem>>[vector<16xi32>, vector<16xi32>], vector<16xf32>,
          %gather3A_119 = tpu.vector_load_idx %run_scoped3A_11[%add3A_117] : memref<400xf32, #tpu.memory_space<vmem>>[vector<16xi32>], vector<16xf32>,
          %mul3A_120 = arith.mulf %gather3A_119, %gather3A_118 : vector<16xf32>
          tpu.vector_store_idx %run_scoped3A[%add3A_117, %and3A_10], %mul3A_120 : memref<400x8xf32, #tpu.memory_space<vmem>>[vector<16xi32>, vector<16xi32>], vector<16xf32>,
          %mul3A_121 = arith.constant 4 : i32
          %mul3A_122 = arith.muli %scan3A_99, %mul3A_121 : i32
          %add3A_123 = arith.constant 2 : i32
          %add3A_124 = arith.addi %mul3A_122, %add3A_123 : i32
          %mul3A_125 = arith.constant 2 : i32
          %mul3A_126 = arith.muli %mul3A_125, %add3A_124 : i32
          %add3A_127 = vector.broadcast %mul3A_126 : i32 to vector<16xi32>
          %add3A_128 = arith.addi %shift_right_logical3A_8, %add3A_127 : vector<16xi32>
          %gather3A_129 = tpu.vector_load_idx %run_scoped3A[%add3A_128, %and3A_10] : memref<400x8xf32, #tpu.memory_space<vmem>>[vector<16xi32>, vector<16xi32>], vector<16xf32>,
          %gather3A_130 = tpu.vector_load_idx %run_scoped3A_11[%add3A_128] : memref<400xf32, #tpu.memory_space<vmem>>[vector<16xi32>], vector<16xf32>,
          %mul3A_131 = arith.mulf %gather3A_130, %gather3A_129 : vector<16xf32>
          tpu.vector_store_idx %run_scoped3A[%add3A_128, %and3A_10], %mul3A_131 : memref<400x8xf32, #tpu.memory_space<vmem>>[vector<16xi32>, vector<16xi32>], vector<16xf32>,
          %mul3A_132 = arith.constant 4 : i32
          %mul3A_133 = arith.muli %scan3A_99, %mul3A_132 : i32
          %add3A_134 = arith.constant 3 : i32
          %add3A_135 = arith.addi %mul3A_133, %add3A_134 : i32
          %mul3A_136 = arith.constant 2 : i32
          %mul3A_137 = arith.muli %mul3A_136, %add3A_135 : i32
          %add3A_138 = vector.broadcast %mul3A_137 : i32 to vector<16xi32>
          %add3A_139 = arith.addi %shift_right_logical3A_8, %add3A_138 : vector<16xi32>
          %gather3A_140 = tpu.vector_load_idx %run_scoped3A[%add3A_139, %and3A_10] : memref<400x8xf32, #tpu.memory_space<vmem>>[vector<16xi32>, vector<16xi32>], vector<16xf32>,
          %gather3A_141 = tpu.vector_load_idx %run_scoped3A_11[%add3A_139] : memref<400xf32, #tpu.memory_space<vmem>>[vector<16xi32>], vector<16xf32>,
          %mul3A_142 = arith.mulf %gather3A_141, %gather3A_140 : vector<16xf32>
          tpu.vector_store_idx %run_scoped3A[%add3A_139, %and3A_10], %mul3A_142 : memref<400x8xf32, #tpu.memory_space<vmem>>[vector<16xi32>, vector<16xi32>], vector<16xf32>,
        }
        %scan3A_96 = arith.constant 50 : i32
        "tpu.region"() ({
          %run_scoped3A_99 = tpu.sem_alloc : memref<!tpu.dma_semaphore, #tpu.memory_space<semaphore_mem>>
          %dma_start3A_100 = arith.constant 0 : i32
          %dma_start3A_101 = tpu.memref_slice %arg7[%add3A_77, %dma_start3A_100] : memref<102400x8xf32, #tpu.memory_space<vmem_shared>> -> memref<400x8xf32, #tpu.memory_space<vmem_shared>>
          %dma_start3A_102 = arith.constant 0 : i32
          %dma_start3A_103 = tpu.memref_slice %arg7[%add3A_77, %dma_start3A_102] : memref<102400x8xf32, #tpu.memory_space<vmem_shared>> -> memref<400x8xf32, #tpu.memory_space<vmem_shared>>
          tpu.enqueue_dma source(%run_scoped3A : memref<400x8xf32, #tpu.memory_space<vmem>>) target(%dma_start3A_103 : memref<400x8xf32, #tpu.memory_space<vmem_shared>>) target_semaphore(%run_scoped3A_99 : memref<!tpu.dma_semaphore, #tpu.memory_space<semaphore_mem>>)
          %dma_wait3A_104 = arith.constant 0 : i32
          %dma_wait3A_105 = tpu.memref_slice %arg7[%add3A_77, %dma_wait3A_104] : memref<102400x8xf32, #tpu.memory_space<vmem_shared>> -> memref<400x8xf32, #tpu.memory_space<vmem_shared>>
          %dma_wait3A_106 = arith.constant 0 : i32
          %dma_wait3A_107 = tpu.memref_slice %arg7[%add3A_77, %dma_wait3A_106] : memref<102400x8xf32, #tpu.memory_space<vmem_shared>> -> memref<400x8xf32, #tpu.memory_space<vmem_shared>>
          tpu.wait_dma2 semaphore(%run_scoped3A_99 : memref<!tpu.dma_semaphore, #tpu.memory_space<semaphore_mem>>) src(%run_scoped3A : memref<400x8xf32, #tpu.memory_space<vmem>>) dst(%dma_wait3A_107 : memref<400x8xf32, #tpu.memory_space<vmem_shared>>)
          tpu.yield
        }) : () -> ()
        %eq3A = arith.constant 1 : i32
        %eq3A_97 = arith.cmpi eq, %arg0, %eq3A : i32
        %convert_element_type3A = arith.extui %eq3A_97 : i1 to i32
        %cond3A = arith.constant 0 : i32
        %cond3A_98 = arith.cmpi ne, %convert_element_type3A, %cond3A : i32
        scf.if %cond3A_98 {
          %broadcast_in_dim3A = arith.constant 0.000000e+00 : f32
          %broadcast_in_dim3A_99 = vector.broadcast %broadcast_in_dim3A : f32 to vector<16xf32>
          %scan3A_100 = arith.constant 0 : i32
          %scan3A_101 = arith.constant 0 : i32
          %scan3A_102 = arith.constant 50 : i32
          %scan3A_103 = arith.addi %scan3A_101, %scan3A_102 : i32
          %scan3A_104 = arith.constant 1 : i32
          scf.for %scan3A_106 = %scan3A_101 to %scan3A_103 step %scan3A_104  : i32 {
            %mul3A_107 = arith.constant 4 : i32
            %mul3A_108 = arith.muli %scan3A_106, %mul3A_107 : i32
            %add3A_109 = arith.constant 0 : i32
            %add3A_110 = arith.addi %mul3A_108, %add3A_109 : i32
            %mul3A_111 = arith.constant 2 : i32
            %mul3A_112 = arith.muli %mul3A_111, %add3A_110 : i32
            %add3A_113 = vector.broadcast %mul3A_112 : i32 to vector<16xi32>
            %add3A_114 = arith.addi %shift_right_logical3A_8, %add3A_113 : vector<16xi32>
            tpu.vector_store_idx %run_scoped3A[%add3A_114, %and3A_10], %broadcast_in_dim3A_99 : memref<400x8xf32, #tpu.memory_space<vmem>>[vector<16xi32>, vector<16xi32>], vector<16xf32>,
            %mul3A_115 = arith.constant 4 : i32
            %mul3A_116 = arith.muli %scan3A_106, %mul3A_115 : i32
            %add3A_117 = arith.constant 1 : i32
            %add3A_118 = arith.addi %mul3A_116, %add3A_117 : i32
            %mul3A_119 = arith.constant 2 : i32
            %mul3A_120 = arith.muli %mul3A_119, %add3A_118 : i32
            %add3A_121 = vector.broadcast %mul3A_120 : i32 to vector<16xi32>
            %add3A_122 = arith.addi %shift_right_logical3A_8, %add3A_121 : vector<16xi32>
            tpu.vector_store_idx %run_scoped3A[%add3A_122, %and3A_10], %broadcast_in_dim3A_99 : memref<400x8xf32, #tpu.memory_space<vmem>>[vector<16xi32>, vector<16xi32>], vector<16xf32>,
            %mul3A_123 = arith.constant 4 : i32
            %mul3A_124 = arith.muli %scan3A_106, %mul3A_123 : i32
            %add3A_125 = arith.constant 2 : i32
            %add3A_126 = arith.addi %mul3A_124, %add3A_125 : i32
            %mul3A_127 = arith.constant 2 : i32
            %mul3A_128 = arith.muli %mul3A_127, %add3A_126 : i32
            %add3A_129 = vector.broadcast %mul3A_128 : i32 to vector<16xi32>
            %add3A_130 = arith.addi %shift_right_logical3A_8, %add3A_129 : vector<16xi32>
            tpu.vector_store_idx %run_scoped3A[%add3A_130, %and3A_10], %broadcast_in_dim3A_99 : memref<400x8xf32, #tpu.memory_space<vmem>>[vector<16xi32>, vector<16xi32>], vector<16xf32>,
            %mul3A_131 = arith.constant 4 : i32
            %mul3A_132 = arith.muli %scan3A_106, %mul3A_131 : i32
            %add3A_133 = arith.constant 3 : i32
            %add3A_134 = arith.addi %mul3A_132, %add3A_133 : i32
            %mul3A_135 = arith.constant 2 : i32
            %mul3A_136 = arith.muli %mul3A_135, %add3A_134 : i32
            %add3A_137 = vector.broadcast %mul3A_136 : i32 to vector<16xi32>
            %add3A_138 = arith.addi %shift_right_logical3A_8, %add3A_137 : vector<16xi32>
            tpu.vector_store_idx %run_scoped3A[%add3A_138, %and3A_10], %broadcast_in_dim3A_99 : memref<400x8xf32, #tpu.memory_space<vmem>>[vector<16xi32>, vector<16xi32>], vector<16xf32>,
          }
          %scan3A_105 = arith.constant 50 : i32
        } else {
        }
        "tpu.region"() ({
          %run_scoped3A_99 = tpu.sem_alloc : memref<!tpu.dma_semaphore, #tpu.memory_space<semaphore_mem>>
          %dma_start3A_100 = arith.constant 0 : i32
          %dma_start3A_101 = tpu.memref_slice %arg8[%add3A_77, %dma_start3A_100] : memref<102400x8xf32, #tpu.memory_space<vmem_shared>> -> memref<400x8xf32, #tpu.memory_space<vmem_shared>>
          %dma_start3A_102 = arith.constant 0 : i32
          %dma_start3A_103 = tpu.memref_slice %arg8[%add3A_77, %dma_start3A_102] : memref<102400x8xf32, #tpu.memory_space<vmem_shared>> -> memref<400x8xf32, #tpu.memory_space<vmem_shared>>
          tpu.enqueue_dma source(%run_scoped3A : memref<400x8xf32, #tpu.memory_space<vmem>>) target(%dma_start3A_103 : memref<400x8xf32, #tpu.memory_space<vmem_shared>>) target_semaphore(%run_scoped3A_99 : memref<!tpu.dma_semaphore, #tpu.memory_space<semaphore_mem>>)
          %dma_wait3A_104 = arith.constant 0 : i32
          %dma_wait3A_105 = tpu.memref_slice %arg8[%add3A_77, %dma_wait3A_104] : memref<102400x8xf32, #tpu.memory_space<vmem_shared>> -> memref<400x8xf32, #tpu.memory_space<vmem_shared>>
          %dma_wait3A_106 = arith.constant 0 : i32
          %dma_wait3A_107 = tpu.memref_slice %arg8[%add3A_77, %dma_wait3A_106] : memref<102400x8xf32, #tpu.memory_space<vmem_shared>> -> memref<400x8xf32, #tpu.memory_space<vmem_shared>>
          tpu.wait_dma2 semaphore(%run_scoped3A_99 : memref<!tpu.dma_semaphore, #tpu.memory_space<semaphore_mem>>) src(%run_scoped3A : memref<400x8xf32, #tpu.memory_space<vmem>>) dst(%dma_wait3A_107 : memref<400x8xf32, #tpu.memory_space<vmem_shared>>)
          tpu.yield
        }) : () -> ()
      }
      %scan3A_30 = arith.constant 16 : i32
      %barrier3A = arith.constant 0 : index
      tpu.barrier barrier_id(%barrier3A)
      %mul3A_31 = arith.constant 128 : i32
      %mul3A_32 = arith.muli %mul3A_2, %mul3A_31 : i32
      "tpu.region"() ({
        %run_scoped3A_72 = tpu.sem_alloc : memref<!tpu.dma_semaphore, #tpu.memory_space<semaphore_mem>>
        %dma_start3A_73 = tpu.memref_slice %arg2[%mul3A_32] : memref<6422528xi32, #tpu.memory_space<hbm>> -> memref<896xi32, #tpu.memory_space<hbm>>
        %dma_start3A_74 = tpu.memref_slice %arg2[%mul3A_32] : memref<6422528xi32, #tpu.memory_space<hbm>> -> memref<896xi32, #tpu.memory_space<hbm>>
        tpu.enqueue_dma source(%dma_start3A_74 : memref<896xi32, #tpu.memory_space<hbm>>) target(%run_scoped3A_16 : memref<896xi32, #tpu.memory_space<vmem>>) target_semaphore(%run_scoped3A_72 : memref<!tpu.dma_semaphore, #tpu.memory_space<semaphore_mem>>)
        %dma_wait3A_75 = tpu.memref_slice %arg2[%mul3A_32] : memref<6422528xi32, #tpu.memory_space<hbm>> -> memref<896xi32, #tpu.memory_space<hbm>>
        %dma_wait3A_76 = tpu.memref_slice %arg2[%mul3A_32] : memref<6422528xi32, #tpu.memory_space<hbm>> -> memref<896xi32, #tpu.memory_space<hbm>>
        tpu.wait_dma2 semaphore(%run_scoped3A_72 : memref<!tpu.dma_semaphore, #tpu.memory_space<semaphore_mem>>) src(%dma_wait3A_76 : memref<896xi32, #tpu.memory_space<hbm>>) dst(%run_scoped3A_16 : memref<896xi32, #tpu.memory_space<vmem>>)
        tpu.yield
      }) : () -> ()
      "tpu.region"() ({
        %run_scoped3A_72 = tpu.sem_alloc : memref<!tpu.dma_semaphore, #tpu.memory_space<semaphore_mem>>
        %dma_start3A_73 = tpu.memref_slice %arg3[%mul3A_32] : memref<6422528xi32, #tpu.memory_space<hbm>> -> memref<896xi32, #tpu.memory_space<hbm>>
        %dma_start3A_74 = tpu.memref_slice %arg3[%mul3A_32] : memref<6422528xi32, #tpu.memory_space<hbm>> -> memref<896xi32, #tpu.memory_space<hbm>>
        tpu.enqueue_dma source(%dma_start3A_74 : memref<896xi32, #tpu.memory_space<hbm>>) target(%run_scoped3A_17 : memref<896xi32, #tpu.memory_space<vmem>>) target_semaphore(%run_scoped3A_72 : memref<!tpu.dma_semaphore, #tpu.memory_space<semaphore_mem>>)
        %dma_wait3A_75 = tpu.memref_slice %arg3[%mul3A_32] : memref<6422528xi32, #tpu.memory_space<hbm>> -> memref<896xi32, #tpu.memory_space<hbm>>
        %dma_wait3A_76 = tpu.memref_slice %arg3[%mul3A_32] : memref<6422528xi32, #tpu.memory_space<hbm>> -> memref<896xi32, #tpu.memory_space<hbm>>
        tpu.wait_dma2 semaphore(%run_scoped3A_72 : memref<!tpu.dma_semaphore, #tpu.memory_space<semaphore_mem>>) src(%dma_wait3A_76 : memref<896xi32, #tpu.memory_space<hbm>>) dst(%run_scoped3A_17 : memref<896xi32, #tpu.memory_space<vmem>>)
        tpu.yield
      }) : () -> ()
      %dma_start3A = arith.constant 0 : i32
      %dma_start3A_33 = arith.constant 0 : i32
      %dma_start3A_34 = tpu.memref_slice %arg7[%dma_start3A, %dma_start3A_33] : memref<102400x8xf32, #tpu.memory_space<vmem_shared>> -> memref<102400x8xf32, #tpu.memory_space<vmem_shared>>
      tpu.enqueue_indirect_dma source(%dma_start3A_34 : memref<102400x8xf32, #tpu.memory_space<vmem_shared>>) target(%run_scoped3A_19 : memref<896x8xf32, #tpu.memory_space<vmem>>) offsets(%run_scoped3A_16 : memref<896xi32, #tpu.memory_space<vmem>>) semaphore(%run_scoped3A_23 : memref<!tpu.dma_semaphore, #tpu.memory_space<semaphore_mem>>)
      %dma_wait3A = arith.constant 0 : i32
      %dma_wait3A_35 = arith.constant 0 : i32
      %dma_wait3A_36 = tpu.memref_slice %arg7[%dma_wait3A, %dma_wait3A_35] : memref<102400x8xf32, #tpu.memory_space<vmem_shared>> -> memref<102400x8xf32, #tpu.memory_space<vmem_shared>>
      tpu.wait_indirect_dma semaphore(%run_scoped3A_23 : memref<!tpu.dma_semaphore, #tpu.memory_space<semaphore_mem>>) src(%dma_wait3A_36 : memref<102400x8xf32, #tpu.memory_space<vmem_shared>>) dst(%run_scoped3A_19 : memref<896x8xf32, #tpu.memory_space<vmem>>)
      %dma_start3A_37 = arith.constant 0 : i32
      %dma_start3A_38 = arith.constant 0 : i32
      %dma_start3A_39 = tpu.memref_slice %arg8[%dma_start3A_37, %dma_start3A_38] : memref<102400x8xf32, #tpu.memory_space<vmem_shared>> -> memref<102400x8xf32, #tpu.memory_space<vmem_shared>>
      tpu.enqueue_indirect_dma source(%run_scoped3A_19 : memref<896x8xf32, #tpu.memory_space<vmem>>) target(%dma_start3A_39 : memref<102400x8xf32, #tpu.memory_space<vmem_shared>>) offsets(%run_scoped3A_17 : memref<896xi32, #tpu.memory_space<vmem>>) semaphore(%run_scoped3A_25 : memref<!tpu.dma_semaphore, #tpu.memory_space<semaphore_mem>>) {add = true}
      %add3A_40 = arith.constant 896 : i32
      %add3A_41 = arith.addi %mul3A_32, %add3A_40 : i32
      "tpu.region"() ({
        %run_scoped3A_72 = tpu.sem_alloc : memref<!tpu.dma_semaphore, #tpu.memory_space<semaphore_mem>>
        %dma_start3A_73 = tpu.memref_slice %arg2[%add3A_41] : memref<6422528xi32, #tpu.memory_space<hbm>> -> memref<896xi32, #tpu.memory_space<hbm>>
        %dma_start3A_74 = tpu.memref_slice %arg2[%add3A_41] : memref<6422528xi32, #tpu.memory_space<hbm>> -> memref<896xi32, #tpu.memory_space<hbm>>
        tpu.enqueue_dma source(%dma_start3A_74 : memref<896xi32, #tpu.memory_space<hbm>>) target(%run_scoped3A_14 : memref<896xi32, #tpu.memory_space<vmem>>) target_semaphore(%run_scoped3A_72 : memref<!tpu.dma_semaphore, #tpu.memory_space<semaphore_mem>>)
        %dma_wait3A_75 = tpu.memref_slice %arg2[%add3A_41] : memref<6422528xi32, #tpu.memory_space<hbm>> -> memref<896xi32, #tpu.memory_space<hbm>>
        %dma_wait3A_76 = tpu.memref_slice %arg2[%add3A_41] : memref<6422528xi32, #tpu.memory_space<hbm>> -> memref<896xi32, #tpu.memory_space<hbm>>
        tpu.wait_dma2 semaphore(%run_scoped3A_72 : memref<!tpu.dma_semaphore, #tpu.memory_space<semaphore_mem>>) src(%dma_wait3A_76 : memref<896xi32, #tpu.memory_space<hbm>>) dst(%run_scoped3A_14 : memref<896xi32, #tpu.memory_space<vmem>>)
        tpu.yield
      }) : () -> ()
      %add3A_42 = arith.constant 896 : i32
      %add3A_43 = arith.addi %mul3A_32, %add3A_42 : i32
      "tpu.region"() ({
        %run_scoped3A_72 = tpu.sem_alloc : memref<!tpu.dma_semaphore, #tpu.memory_space<semaphore_mem>>
        %dma_start3A_73 = tpu.memref_slice %arg3[%add3A_43] : memref<6422528xi32, #tpu.memory_space<hbm>> -> memref<896xi32, #tpu.memory_space<hbm>>
        %dma_start3A_74 = tpu.memref_slice %arg3[%add3A_43] : memref<6422528xi32, #tpu.memory_space<hbm>> -> memref<896xi32, #tpu.memory_space<hbm>>
        tpu.enqueue_dma source(%dma_start3A_74 : memref<896xi32, #tpu.memory_space<hbm>>) target(%run_scoped3A_15 : memref<896xi32, #tpu.memory_space<vmem>>) target_semaphore(%run_scoped3A_72 : memref<!tpu.dma_semaphore, #tpu.memory_space<semaphore_mem>>)
        %dma_wait3A_75 = tpu.memref_slice %arg3[%add3A_43] : memref<6422528xi32, #tpu.memory_space<hbm>> -> memref<896xi32, #tpu.memory_space<hbm>>
        %dma_wait3A_76 = tpu.memref_slice %arg3[%add3A_43] : memref<6422528xi32, #tpu.memory_space<hbm>> -> memref<896xi32, #tpu.memory_space<hbm>>
        tpu.wait_dma2 semaphore(%run_scoped3A_72 : memref<!tpu.dma_semaphore, #tpu.memory_space<semaphore_mem>>) src(%dma_wait3A_76 : memref<896xi32, #tpu.memory_space<hbm>>) dst(%run_scoped3A_15 : memref<896xi32, #tpu.memory_space<vmem>>)
        tpu.yield
      }) : () -> ()
      %scan3A_44 = arith.constant 0 : i32
      %scan3A_45 = arith.constant 0 : i32
      %scan3A_46 = arith.constant 111 : i32
      %scan3A_47 = arith.addi %scan3A_45, %scan3A_46 : i32
      %scan3A_48 = arith.constant 1 : i32
      scf.for %scan3A_72 = %scan3A_45 to %scan3A_47 step %scan3A_48  : i32 {
        %mul3A_73 = arith.constant 2 : i32
        %mul3A_74 = arith.muli %mul3A_73, %scan3A_72 : i32
        %add3A_75 = arith.constant 1 : i32
        %add3A_76 = arith.addi %mul3A_74, %add3A_75 : i32
        %mul3A_77 = arith.constant 896 : i32
        %mul3A_78 = arith.muli %add3A_76, %mul3A_77 : i32
        %add3A_79 = arith.addi %mul3A_32, %mul3A_78 : i32
        %dma_start3A_80 = arith.constant 0 : i32
        %dma_start3A_81 = arith.constant 0 : i32
        %dma_start3A_82 = tpu.memref_slice %arg7[%dma_start3A_80, %dma_start3A_81] : memref<102400x8xf32, #tpu.memory_space<vmem_shared>> -> memref<102400x8xf32, #tpu.memory_space<vmem_shared>>
        tpu.enqueue_indirect_dma source(%dma_start3A_82 : memref<102400x8xf32, #tpu.memory_space<vmem_shared>>) target(%run_scoped3A_18 : memref<896x8xf32, #tpu.memory_space<vmem>>) offsets(%run_scoped3A_14 : memref<896xi32, #tpu.memory_space<vmem>>) semaphore(%run_scoped3A_22 : memref<!tpu.dma_semaphore, #tpu.memory_space<semaphore_mem>>)
        %dma_wait3A_83 = arith.constant 0 : i32
        %dma_wait3A_84 = arith.constant 0 : i32
        %dma_wait3A_85 = tpu.memref_slice %arg8[%dma_wait3A_83, %dma_wait3A_84] : memref<102400x8xf32, #tpu.memory_space<vmem_shared>> -> memref<102400x8xf32, #tpu.memory_space<vmem_shared>>
        tpu.wait_indirect_dma semaphore(%run_scoped3A_25 : memref<!tpu.dma_semaphore, #tpu.memory_space<semaphore_mem>>) src(%run_scoped3A_19 : memref<896x8xf32, #tpu.memory_space<vmem>>) dst(%dma_wait3A_85 : memref<102400x8xf32, #tpu.memory_space<vmem_shared>>)
        %add3A_86 = arith.constant 896 : i32
        %add3A_87 = arith.addi %add3A_79, %add3A_86 : i32
        %dma_start3A_88 = tpu.memref_slice %arg2[%add3A_87] : memref<6422528xi32, #tpu.memory_space<hbm>> -> memref<896xi32, #tpu.memory_space<hbm>>
        %dma_start3A_89 = tpu.memref_slice %arg2[%add3A_87] : memref<6422528xi32, #tpu.memory_space<hbm>> -> memref<896xi32, #tpu.memory_space<hbm>>
        tpu.enqueue_dma source(%dma_start3A_89 : memref<896xi32, #tpu.memory_space<hbm>>) target(%run_scoped3A_16 : memref<896xi32, #tpu.memory_space<vmem>>) target_semaphore(%run_scoped3A_21 : memref<!tpu.dma_semaphore, #tpu.memory_space<semaphore_mem>>)
        %add3A_90 = arith.constant 896 : i32
        %add3A_91 = arith.addi %add3A_79, %add3A_90 : i32
        %dma_start3A_92 = tpu.memref_slice %arg3[%add3A_91] : memref<6422528xi32, #tpu.memory_space<hbm>> -> memref<896xi32, #tpu.memory_space<hbm>>
        %dma_start3A_93 = tpu.memref_slice %arg3[%add3A_91] : memref<6422528xi32, #tpu.memory_space<hbm>> -> memref<896xi32, #tpu.memory_space<hbm>>
        tpu.enqueue_dma source(%dma_start3A_93 : memref<896xi32, #tpu.memory_space<hbm>>) target(%run_scoped3A_17 : memref<896xi32, #tpu.memory_space<vmem>>) target_semaphore(%run_scoped3A_21 : memref<!tpu.dma_semaphore, #tpu.memory_space<semaphore_mem>>)
        %dma_wait3A_94 = arith.constant 0 : i32
        %dma_wait3A_95 = arith.constant 0 : i32
        %dma_wait3A_96 = tpu.memref_slice %arg7[%dma_wait3A_94, %dma_wait3A_95] : memref<102400x8xf32, #tpu.memory_space<vmem_shared>> -> memref<102400x8xf32, #tpu.memory_space<vmem_shared>>
        tpu.wait_indirect_dma semaphore(%run_scoped3A_22 : memref<!tpu.dma_semaphore, #tpu.memory_space<semaphore_mem>>) src(%dma_wait3A_96 : memref<102400x8xf32, #tpu.memory_space<vmem_shared>>) dst(%run_scoped3A_18 : memref<896x8xf32, #tpu.memory_space<vmem>>)
        %dma_start3A_97 = arith.constant 0 : i32
        %dma_start3A_98 = arith.constant 0 : i32
        %dma_start3A_99 = tpu.memref_slice %arg8[%dma_start3A_97, %dma_start3A_98] : memref<102400x8xf32, #tpu.memory_space<vmem_shared>> -> memref<102400x8xf32, #tpu.memory_space<vmem_shared>>
        tpu.enqueue_indirect_dma source(%run_scoped3A_18 : memref<896x8xf32, #tpu.memory_space<vmem>>) target(%dma_start3A_99 : memref<102400x8xf32, #tpu.memory_space<vmem_shared>>) offsets(%run_scoped3A_15 : memref<896xi32, #tpu.memory_space<vmem>>) semaphore(%run_scoped3A_24 : memref<!tpu.dma_semaphore, #tpu.memory_space<semaphore_mem>>) {add = true}
        %dma_wait3A_100 = tpu.memref_slice %arg2[%add3A_87] : memref<6422528xi32, #tpu.memory_space<hbm>> -> memref<896xi32, #tpu.memory_space<hbm>>
        %dma_wait3A_101 = tpu.memref_slice %arg2[%add3A_87] : memref<6422528xi32, #tpu.memory_space<hbm>> -> memref<896xi32, #tpu.memory_space<hbm>>
        tpu.wait_dma2 semaphore(%run_scoped3A_21 : memref<!tpu.dma_semaphore, #tpu.memory_space<semaphore_mem>>) src(%dma_wait3A_101 : memref<896xi32, #tpu.memory_space<hbm>>) dst(%run_scoped3A_16 : memref<896xi32, #tpu.memory_space<vmem>>)
        %dma_wait3A_102 = tpu.memref_slice %arg3[%add3A_91] : memref<6422528xi32, #tpu.memory_space<hbm>> -> memref<896xi32, #tpu.memory_space<hbm>>
        %dma_wait3A_103 = tpu.memref_slice %arg3[%add3A_91] : memref<6422528xi32, #tpu.memory_space<hbm>> -> memref<896xi32, #tpu.memory_space<hbm>>
        tpu.wait_dma2 semaphore(%run_scoped3A_21 : memref<!tpu.dma_semaphore, #tpu.memory_space<semaphore_mem>>) src(%dma_wait3A_103 : memref<896xi32, #tpu.memory_space<hbm>>) dst(%run_scoped3A_17 : memref<896xi32, #tpu.memory_space<vmem>>)
        %dma_start3A_104 = arith.constant 0 : i32
        %dma_start3A_105 = arith.constant 0 : i32
        %dma_start3A_106 = tpu.memref_slice %arg7[%dma_start3A_104, %dma_start3A_105] : memref<102400x8xf32, #tpu.memory_space<vmem_shared>> -> memref<102400x8xf32, #tpu.memory_space<vmem_shared>>
        tpu.enqueue_indirect_dma source(%dma_start3A_106 : memref<102400x8xf32, #tpu.memory_space<vmem_shared>>) target(%run_scoped3A_19 : memref<896x8xf32, #tpu.memory_space<vmem>>) offsets(%run_scoped3A_16 : memref<896xi32, #tpu.memory_space<vmem>>) semaphore(%run_scoped3A_23 : memref<!tpu.dma_semaphore, #tpu.memory_space<semaphore_mem>>)
        %dma_wait3A_107 = arith.constant 0 : i32
        %dma_wait3A_108 = arith.constant 0 : i32
        %dma_wait3A_109 = tpu.memref_slice %arg8[%dma_wait3A_107, %dma_wait3A_108] : memref<102400x8xf32, #tpu.memory_space<vmem_shared>> -> memref<102400x8xf32, #tpu.memory_space<vmem_shared>>
        tpu.wait_indirect_dma semaphore(%run_scoped3A_24 : memref<!tpu.dma_semaphore, #tpu.memory_space<semaphore_mem>>) src(%run_scoped3A_18 : memref<896x8xf32, #tpu.memory_space<vmem>>) dst(%dma_wait3A_109 : memref<102400x8xf32, #tpu.memory_space<vmem_shared>>)
        %mul3A_110 = arith.constant 2 : i32
        %mul3A_111 = arith.muli %mul3A_110, %scan3A_72 : i32
        %add3A_112 = arith.constant 3 : i32
        %add3A_113 = arith.addi %mul3A_111, %add3A_112 : i32
        %jit3A = arith.constant 224 : i32
        %eq3A = arith.constant 0 : i32
        %eq3A_114 = arith.cmpi eq, %jit3A, %eq3A : i32
        %jit3A_115 = arith.constant 1 : i32
        %select_n3A = arith.select %eq3A_114, %jit3A_115, %jit3A : i32
        %rem3A = arith.remsi %add3A_113, %select_n3A : i32
        %ne3A = arith.constant 0 : i32
        %ne3A_116 = arith.cmpi ne, %rem3A, %ne3A : i32
        %lt3A = arith.constant 0 : i32
        %lt3A_117 = arith.cmpi slt, %rem3A, %lt3A : i32
        %lt3A_118 = arith.constant 0 : i32
        %lt3A_119 = arith.cmpi slt, %select_n3A, %lt3A_118 : i32
        %ne3A_120 = arith.xori %lt3A_117, %lt3A_119 : i1
        %and3A_121 = arith.andi %ne3A_120, %ne3A_116 : i1
        %add3A_122 = arith.addi %rem3A, %select_n3A : i32
        %select_n3A_123 = arith.select %and3A_121, %add3A_122, %rem3A : i32
        %mul3A_124 = arith.constant 896 : i32
        %mul3A_125 = arith.muli %select_n3A_123, %mul3A_124 : i32
        %add3A_126 = arith.addi %mul3A_32, %mul3A_125 : i32
        %dma_start3A_127 = tpu.memref_slice %arg2[%add3A_126] : memref<6422528xi32, #tpu.memory_space<hbm>> -> memref<896xi32, #tpu.memory_space<hbm>>
        %dma_start3A_128 = tpu.memref_slice %arg2[%add3A_126] : memref<6422528xi32, #tpu.memory_space<hbm>> -> memref<896xi32, #tpu.memory_space<hbm>>
        tpu.enqueue_dma source(%dma_start3A_128 : memref<896xi32, #tpu.memory_space<hbm>>) target(%run_scoped3A_14 : memref<896xi32, #tpu.memory_space<vmem>>) target_semaphore(%run_scoped3A_20 : memref<!tpu.dma_semaphore, #tpu.memory_space<semaphore_mem>>)
        %dma_start3A_129 = tpu.memref_slice %arg3[%add3A_126] : memref<6422528xi32, #tpu.memory_space<hbm>> -> memref<896xi32, #tpu.memory_space<hbm>>
        %dma_start3A_130 = tpu.memref_slice %arg3[%add3A_126] : memref<6422528xi32, #tpu.memory_space<hbm>> -> memref<896xi32, #tpu.memory_space<hbm>>
        tpu.enqueue_dma source(%dma_start3A_130 : memref<896xi32, #tpu.memory_space<hbm>>) target(%run_scoped3A_15 : memref<896xi32, #tpu.memory_space<vmem>>) target_semaphore(%run_scoped3A_20 : memref<!tpu.dma_semaphore, #tpu.memory_space<semaphore_mem>>)
        %dma_wait3A_131 = arith.constant 0 : i32
        %dma_wait3A_132 = arith.constant 0 : i32
        %dma_wait3A_133 = tpu.memref_slice %arg7[%dma_wait3A_131, %dma_wait3A_132] : memref<102400x8xf32, #tpu.memory_space<vmem_shared>> -> memref<102400x8xf32, #tpu.memory_space<vmem_shared>>
        tpu.wait_indirect_dma semaphore(%run_scoped3A_23 : memref<!tpu.dma_semaphore, #tpu.memory_space<semaphore_mem>>) src(%dma_wait3A_133 : memref<102400x8xf32, #tpu.memory_space<vmem_shared>>) dst(%run_scoped3A_19 : memref<896x8xf32, #tpu.memory_space<vmem>>)
        %dma_start3A_134 = arith.constant 0 : i32
        %dma_start3A_135 = arith.constant 0 : i32
        %dma_start3A_136 = tpu.memref_slice %arg8[%dma_start3A_134, %dma_start3A_135] : memref<102400x8xf32, #tpu.memory_space<vmem_shared>> -> memref<102400x8xf32, #tpu.memory_space<vmem_shared>>
        tpu.enqueue_indirect_dma source(%run_scoped3A_19 : memref<896x8xf32, #tpu.memory_space<vmem>>) target(%dma_start3A_136 : memref<102400x8xf32, #tpu.memory_space<vmem_shared>>) offsets(%run_scoped3A_17 : memref<896xi32, #tpu.memory_space<vmem>>) semaphore(%run_scoped3A_25 : memref<!tpu.dma_semaphore, #tpu.memory_space<semaphore_mem>>) {add = true}
        %dma_wait3A_137 = tpu.memref_slice %arg2[%add3A_126] : memref<6422528xi32, #tpu.memory_space<hbm>> -> memref<896xi32, #tpu.memory_space<hbm>>
        %dma_wait3A_138 = tpu.memref_slice %arg2[%add3A_126] : memref<6422528xi32, #tpu.memory_space<hbm>> -> memref<896xi32, #tpu.memory_space<hbm>>
        tpu.wait_dma2 semaphore(%run_scoped3A_20 : memref<!tpu.dma_semaphore, #tpu.memory_space<semaphore_mem>>) src(%dma_wait3A_138 : memref<896xi32, #tpu.memory_space<hbm>>) dst(%run_scoped3A_14 : memref<896xi32, #tpu.memory_space<vmem>>)
        %dma_wait3A_139 = tpu.memref_slice %arg3[%add3A_126] : memref<6422528xi32, #tpu.memory_space<hbm>> -> memref<896xi32, #tpu.memory_space<hbm>>
        %dma_wait3A_140 = tpu.memref_slice %arg3[%add3A_126] : memref<6422528xi32, #tpu.memory_space<hbm>> -> memref<896xi32, #tpu.memory_space<hbm>>
        tpu.wait_dma2 semaphore(%run_scoped3A_20 : memref<!tpu.dma_semaphore, #tpu.memory_space<semaphore_mem>>) src(%dma_wait3A_140 : memref<896xi32, #tpu.memory_space<hbm>>) dst(%run_scoped3A_15 : memref<896xi32, #tpu.memory_space<vmem>>)
      }
      %scan3A_49 = arith.constant 111 : i32
      %dma_wait3A_50 = arith.constant 0 : i32
      %dma_wait3A_51 = arith.constant 0 : i32
      %dma_wait3A_52 = tpu.memref_slice %arg8[%dma_wait3A_50, %dma_wait3A_51] : memref<102400x8xf32, #tpu.memory_space<vmem_shared>> -> memref<102400x8xf32, #tpu.memory_space<vmem_shared>>
      tpu.wait_indirect_dma semaphore(%run_scoped3A_25 : memref<!tpu.dma_semaphore, #tpu.memory_space<semaphore_mem>>) src(%run_scoped3A_19 : memref<896x8xf32, #tpu.memory_space<vmem>>) dst(%dma_wait3A_52 : memref<102400x8xf32, #tpu.memory_space<vmem_shared>>)
      %dma_start3A_53 = arith.constant 0 : i32
      %dma_start3A_54 = arith.constant 0 : i32
      %dma_start3A_55 = tpu.memref_slice %arg7[%dma_start3A_53, %dma_start3A_54] : memref<102400x8xf32, #tpu.memory_space<vmem_shared>> -> memref<102400x8xf32, #tpu.memory_space<vmem_shared>>
      tpu.enqueue_indirect_dma source(%dma_start3A_55 : memref<102400x8xf32, #tpu.memory_space<vmem_shared>>) target(%run_scoped3A_18 : memref<896x8xf32, #tpu.memory_space<vmem>>) offsets(%run_scoped3A_14 : memref<896xi32, #tpu.memory_space<vmem>>) semaphore(%run_scoped3A_22 : memref<!tpu.dma_semaphore, #tpu.memory_space<semaphore_mem>>)
      %dma_wait3A_56 = arith.constant 0 : i32
      %dma_wait3A_57 = arith.constant 0 : i32
      %dma_wait3A_58 = tpu.memref_slice %arg7[%dma_wait3A_56, %dma_wait3A_57] : memref<102400x8xf32, #tpu.memory_space<vmem_shared>> -> memref<102400x8xf32, #tpu.memory_space<vmem_shared>>
      tpu.wait_indirect_dma semaphore(%run_scoped3A_22 : memref<!tpu.dma_semaphore, #tpu.memory_space<semaphore_mem>>) src(%dma_wait3A_58 : memref<102400x8xf32, #tpu.memory_space<vmem_shared>>) dst(%run_scoped3A_18 : memref<896x8xf32, #tpu.memory_space<vmem>>)
      %dma_start3A_59 = arith.constant 0 : i32
      %dma_start3A_60 = arith.constant 0 : i32
      %dma_start3A_61 = tpu.memref_slice %arg8[%dma_start3A_59, %dma_start3A_60] : memref<102400x8xf32, #tpu.memory_space<vmem_shared>> -> memref<102400x8xf32, #tpu.memory_space<vmem_shared>>
      tpu.enqueue_indirect_dma source(%run_scoped3A_18 : memref<896x8xf32, #tpu.memory_space<vmem>>) target(%dma_start3A_61 : memref<102400x8xf32, #tpu.memory_space<vmem_shared>>) offsets(%run_scoped3A_15 : memref<896xi32, #tpu.memory_space<vmem>>) semaphore(%run_scoped3A_24 : memref<!tpu.dma_semaphore, #tpu.memory_space<semaphore_mem>>) {add = true}
      %dma_wait3A_62 = arith.constant 0 : i32
      %dma_wait3A_63 = arith.constant 0 : i32
      %dma_wait3A_64 = tpu.memref_slice %arg8[%dma_wait3A_62, %dma_wait3A_63] : memref<102400x8xf32, #tpu.memory_space<vmem_shared>> -> memref<102400x8xf32, #tpu.memory_space<vmem_shared>>
      tpu.wait_indirect_dma semaphore(%run_scoped3A_24 : memref<!tpu.dma_semaphore, #tpu.memory_space<semaphore_mem>>) src(%run_scoped3A_18 : memref<896x8xf32, #tpu.memory_space<vmem>>) dst(%dma_wait3A_64 : memref<102400x8xf32, #tpu.memory_space<vmem_shared>>)
      %barrier3A_65 = arith.constant 0 : index
      tpu.barrier barrier_id(%barrier3A_65)
      %scan3A_66 = arith.constant 0 : i32
      %scan3A_67 = arith.constant 0 : i32
      %scan3A_68 = arith.constant 16 : i32
      %scan3A_69 = arith.addi %scan3A_67, %scan3A_68 : i32
      %scan3A_70 = arith.constant 1 : i32
      scf.for %scan3A_72 = %scan3A_67 to %scan3A_69 step %scan3A_70  : i32 {
        %mul3A_73 = arith.constant 6400 : i32
        %mul3A_74 = arith.muli %arg1, %mul3A_73 : i32
        %mul3A_75 = arith.constant 400 : i32
        %mul3A_76 = arith.muli %scan3A_72, %mul3A_75 : i32
        %add3A_77 = arith.addi %mul3A_74, %mul3A_76 : i32
        %mul3A_78 = arith.constant 6400 : i32
        %mul3A_79 = arith.muli %arg1, %mul3A_78 : i32
        %mul3A_80 = arith.constant 400 : i32
        %mul3A_81 = arith.muli %scan3A_72, %mul3A_80 : i32
        %add3A_82 = arith.addi %mul3A_79, %mul3A_81 : i32
        %run_scoped3A_83 = arith.constant 0 : i32
        "tpu.region"() ({
          %run_scoped3A_97 = tpu.sem_alloc : memref<!tpu.dma_semaphore, #tpu.memory_space<semaphore_mem>>
          %dma_start3A_98 = tpu.memref_slice %arg5[%run_scoped3A_83, %add3A_82] : memref<2x102400xf32, #tpu.memory_space<hbm>> -> memref<1x400xf32, #tpu.memory_space<hbm>>
          %dma_start3A_99 = tpu.memref_squeeze %dma_start3A_98 : memref<1x400xf32, #tpu.memory_space<hbm>> -> memref<400xf32, #tpu.memory_space<hbm>>
          %dma_start3A_100 = tpu.memref_slice %arg5[%run_scoped3A_83, %add3A_82] : memref<2x102400xf32, #tpu.memory_space<hbm>> -> memref<1x400xf32, #tpu.memory_space<hbm>>
          %dma_start3A_101 = tpu.memref_squeeze %dma_start3A_100 : memref<1x400xf32, #tpu.memory_space<hbm>> -> memref<400xf32, #tpu.memory_space<hbm>>
          tpu.enqueue_dma source(%dma_start3A_101 : memref<400xf32, #tpu.memory_space<hbm>>) target(%run_scoped3A_12 : memref<400xf32, #tpu.memory_space<vmem>>) target_semaphore(%run_scoped3A_97 : memref<!tpu.dma_semaphore, #tpu.memory_space<semaphore_mem>>)
          %dma_wait3A_102 = tpu.memref_slice %arg5[%run_scoped3A_83, %add3A_82] : memref<2x102400xf32, #tpu.memory_space<hbm>> -> memref<1x400xf32, #tpu.memory_space<hbm>>
          %dma_wait3A_103 = tpu.memref_squeeze %dma_wait3A_102 : memref<1x400xf32, #tpu.memory_space<hbm>> -> memref<400xf32, #tpu.memory_space<hbm>>
          %dma_wait3A_104 = tpu.memref_slice %arg5[%run_scoped3A_83, %add3A_82] : memref<2x102400xf32, #tpu.memory_space<hbm>> -> memref<1x400xf32, #tpu.memory_space<hbm>>
          %dma_wait3A_105 = tpu.memref_squeeze %dma_wait3A_104 : memref<1x400xf32, #tpu.memory_space<hbm>> -> memref<400xf32, #tpu.memory_space<hbm>>
          tpu.wait_dma2 semaphore(%run_scoped3A_97 : memref<!tpu.dma_semaphore, #tpu.memory_space<semaphore_mem>>) src(%dma_wait3A_105 : memref<400xf32, #tpu.memory_space<hbm>>) dst(%run_scoped3A_12 : memref<400xf32, #tpu.memory_space<vmem>>)
          tpu.yield
        }) : () -> ()
        %run_scoped3A_84 = arith.constant 1 : i32
        "tpu.region"() ({
          %run_scoped3A_97 = tpu.sem_alloc : memref<!tpu.dma_semaphore, #tpu.memory_space<semaphore_mem>>
          %dma_start3A_98 = tpu.memref_slice %arg5[%run_scoped3A_84, %add3A_82] : memref<2x102400xf32, #tpu.memory_space<hbm>> -> memref<1x400xf32, #tpu.memory_space<hbm>>
          %dma_start3A_99 = tpu.memref_squeeze %dma_start3A_98 : memref<1x400xf32, #tpu.memory_space<hbm>> -> memref<400xf32, #tpu.memory_space<hbm>>
          %dma_start3A_100 = tpu.memref_slice %arg5[%run_scoped3A_84, %add3A_82] : memref<2x102400xf32, #tpu.memory_space<hbm>> -> memref<1x400xf32, #tpu.memory_space<hbm>>
          %dma_start3A_101 = tpu.memref_squeeze %dma_start3A_100 : memref<1x400xf32, #tpu.memory_space<hbm>> -> memref<400xf32, #tpu.memory_space<hbm>>
          tpu.enqueue_dma source(%dma_start3A_101 : memref<400xf32, #tpu.memory_space<hbm>>) target(%run_scoped3A_13 : memref<400xf32, #tpu.memory_space<vmem>>) target_semaphore(%run_scoped3A_97 : memref<!tpu.dma_semaphore, #tpu.memory_space<semaphore_mem>>)
          %dma_wait3A_102 = tpu.memref_slice %arg5[%run_scoped3A_84, %add3A_82] : memref<2x102400xf32, #tpu.memory_space<hbm>> -> memref<1x400xf32, #tpu.memory_space<hbm>>
          %dma_wait3A_103 = tpu.memref_squeeze %dma_wait3A_102 : memref<1x400xf32, #tpu.memory_space<hbm>> -> memref<400xf32, #tpu.memory_space<hbm>>
          %dma_wait3A_104 = tpu.memref_slice %arg5[%run_scoped3A_84, %add3A_82] : memref<2x102400xf32, #tpu.memory_space<hbm>> -> memref<1x400xf32, #tpu.memory_space<hbm>>
          %dma_wait3A_105 = tpu.memref_squeeze %dma_wait3A_104 : memref<1x400xf32, #tpu.memory_space<hbm>> -> memref<400xf32, #tpu.memory_space<hbm>>
          tpu.wait_dma2 semaphore(%run_scoped3A_97 : memref<!tpu.dma_semaphore, #tpu.memory_space<semaphore_mem>>) src(%dma_wait3A_105 : memref<400xf32, #tpu.memory_space<hbm>>) dst(%run_scoped3A_13 : memref<400xf32, #tpu.memory_space<vmem>>)
          tpu.yield
        }) : () -> ()
        %scan3A_85 = arith.constant 0 : i32
        %scan3A_86 = arith.constant 0 : i32
        %scan3A_87 = arith.constant 25 : i32
        %scan3A_88 = arith.addi %scan3A_86, %scan3A_87 : i32
        %scan3A_89 = arith.constant 1 : i32
        scf.for %scan3A_97 = %scan3A_86 to %scan3A_88 step %scan3A_89  : i32 {
          %mul3A_98 = arith.constant 16 : i32
          %mul3A_99 = arith.muli %scan3A_97, %mul3A_98 : i32
          %get3A = arith.index_cast %mul3A_99 : i32 to index
          %get3A_100 = tpu.vector_load %run_scoped3A_12[%get3A] {strides = array<i32>} : memref<400xf32, #tpu.memory_space<vmem>>, vector<16xf32>,
          %get3A_101 = arith.index_cast %mul3A_99 : i32 to index
          %get3A_102 = tpu.vector_load %run_scoped3A_13[%get3A_101] {strides = array<i32>} : memref<400xf32, #tpu.memory_space<vmem>>, vector<16xf32>,
          %add3A_103 = arith.addf %get3A_100, %get3A_102 : vector<16xf32>
          %add3A_104 = arith.constant 1.000000e+00 : f32
          %add3A_105 = vector.broadcast %add3A_104 : f32 to vector<16xf32>
          %add3A_106 = arith.addf %add3A_103, %add3A_105 : vector<16xf32>
          %bitcast3A = vector.bitcast %add3A_106 : vector<16xf32> to vector<16xi32>
          %shift_right_logical3A_107 = arith.constant 1 : i32
          %shift_right_logical3A_108 = vector.broadcast %shift_right_logical3A_107 : i32 to vector<16xi32>
          %shift_right_logical3A_109 = arith.shrui %bitcast3A, %shift_right_logical3A_108 : vector<16xi32>
          %sub3A = arith.constant 1597463007 : i32
          %sub3A_110 = vector.broadcast %sub3A : i32 to vector<16xi32>
          %sub3A_111 = arith.subi %sub3A_110, %shift_right_logical3A_109 : vector<16xi32>
          %bitcast3A_112 = vector.bitcast %sub3A_111 : vector<16xi32> to vector<16xf32>
          %mul3A_113 = arith.constant 5.000000e-01 : f32
          %mul3A_114 = vector.broadcast %mul3A_113 : f32 to vector<16xf32>
          %mul3A_115 = arith.mulf %mul3A_114, %add3A_106 : vector<16xf32>
          %mul3A_116 = arith.mulf %mul3A_115, %bitcast3A_112 : vector<16xf32>
          %mul3A_117 = arith.mulf %mul3A_116, %bitcast3A_112 : vector<16xf32>
          %sub3A_118 = arith.constant 1.500000e+00 : f32
          %sub3A_119 = vector.broadcast %sub3A_118 : f32 to vector<16xf32>
          %sub3A_120 = arith.subf %sub3A_119, %mul3A_117 : vector<16xf32>
          %mul3A_121 = arith.mulf %bitcast3A_112, %sub3A_120 : vector<16xf32>
          %mul3A_122 = arith.constant 5.000000e-01 : f32
          %mul3A_123 = vector.broadcast %mul3A_122 : f32 to vector<16xf32>
          %mul3A_124 = arith.mulf %mul3A_123, %add3A_106 : vector<16xf32>
          %mul3A_125 = arith.mulf %mul3A_124, %mul3A_121 : vector<16xf32>
          %mul3A_126 = arith.mulf %mul3A_125, %mul3A_121 : vector<16xf32>
          %sub3A_127 = arith.constant 1.500000e+00 : f32
          %sub3A_128 = vector.broadcast %sub3A_127 : f32 to vector<16xf32>
          %sub3A_129 = arith.subf %sub3A_128, %mul3A_126 : vector<16xf32>
          %mul3A_130 = arith.mulf %mul3A_121, %sub3A_129 : vector<16xf32>
          %mul3A_131 = arith.constant 5.000000e-01 : f32
          %mul3A_132 = vector.broadcast %mul3A_131 : f32 to vector<16xf32>
          %mul3A_133 = arith.mulf %mul3A_132, %add3A_106 : vector<16xf32>
          %mul3A_134 = arith.mulf %mul3A_133, %mul3A_130 : vector<16xf32>
          %mul3A_135 = arith.mulf %mul3A_134, %mul3A_130 : vector<16xf32>
          %sub3A_136 = arith.constant 1.500000e+00 : f32
          %sub3A_137 = vector.broadcast %sub3A_136 : f32 to vector<16xf32>
          %sub3A_138 = arith.subf %sub3A_137, %mul3A_135 : vector<16xf32>
          %mul3A_139 = arith.mulf %mul3A_130, %sub3A_138 : vector<16xf32>
          %swap3A = arith.index_cast %mul3A_99 : i32 to index
          %swap3A_140 = tpu.vector_load %run_scoped3A_11[%swap3A] {strides = array<i32>} : memref<400xf32, #tpu.memory_space<vmem>>, vector<16xf32>,
          tpu.vector_store %run_scoped3A_11[%swap3A], %mul3A_139 {strides = array<i32>} : memref<400xf32, #tpu.memory_space<vmem>>, vector<16xf32>,
        }
        %scan3A_90 = arith.constant 25 : i32
        "tpu.region"() ({
          %run_scoped3A_97 = tpu.sem_alloc : memref<!tpu.dma_semaphore, #tpu.memory_space<semaphore_mem>>
          %dma_start3A_98 = arith.constant 0 : i32
          %dma_start3A_99 = tpu.memref_slice %arg8[%add3A_77, %dma_start3A_98] : memref<102400x8xf32, #tpu.memory_space<vmem_shared>> -> memref<400x8xf32, #tpu.memory_space<vmem_shared>>
          %dma_start3A_100 = arith.constant 0 : i32
          %dma_start3A_101 = tpu.memref_slice %arg8[%add3A_77, %dma_start3A_100] : memref<102400x8xf32, #tpu.memory_space<vmem_shared>> -> memref<400x8xf32, #tpu.memory_space<vmem_shared>>
          tpu.enqueue_dma source(%dma_start3A_101 : memref<400x8xf32, #tpu.memory_space<vmem_shared>>) target(%run_scoped3A : memref<400x8xf32, #tpu.memory_space<vmem>>) target_semaphore(%run_scoped3A_97 : memref<!tpu.dma_semaphore, #tpu.memory_space<semaphore_mem>>)
          %dma_wait3A_102 = arith.constant 0 : i32
          %dma_wait3A_103 = tpu.memref_slice %arg8[%add3A_77, %dma_wait3A_102] : memref<102400x8xf32, #tpu.memory_space<vmem_shared>> -> memref<400x8xf32, #tpu.memory_space<vmem_shared>>
          %dma_wait3A_104 = arith.constant 0 : i32
          %dma_wait3A_105 = tpu.memref_slice %arg8[%add3A_77, %dma_wait3A_104] : memref<102400x8xf32, #tpu.memory_space<vmem_shared>> -> memref<400x8xf32, #tpu.memory_space<vmem_shared>>
          tpu.wait_dma2 semaphore(%run_scoped3A_97 : memref<!tpu.dma_semaphore, #tpu.memory_space<semaphore_mem>>) src(%dma_wait3A_105 : memref<400x8xf32, #tpu.memory_space<vmem_shared>>) dst(%run_scoped3A : memref<400x8xf32, #tpu.memory_space<vmem>>)
          tpu.yield
        }) : () -> ()
        %scan3A_91 = arith.constant 0 : i32
        %scan3A_92 = arith.constant 0 : i32
        %scan3A_93 = arith.constant 50 : i32
        %scan3A_94 = arith.addi %scan3A_92, %scan3A_93 : i32
        %scan3A_95 = arith.constant 1 : i32
        scf.for %scan3A_97 = %scan3A_92 to %scan3A_94 step %scan3A_95  : i32 {
          %mul3A_98 = arith.constant 4 : i32
          %mul3A_99 = arith.muli %scan3A_97, %mul3A_98 : i32
          %add3A_100 = arith.constant 0 : i32
          %add3A_101 = arith.addi %mul3A_99, %add3A_100 : i32
          %mul3A_102 = arith.constant 2 : i32
          %mul3A_103 = arith.muli %mul3A_102, %add3A_101 : i32
          %add3A_104 = vector.broadcast %mul3A_103 : i32 to vector<16xi32>
          %add3A_105 = arith.addi %shift_right_logical3A_8, %add3A_104 : vector<16xi32>
          %gather3A = tpu.vector_load_idx %run_scoped3A[%add3A_105, %and3A_10] : memref<400x8xf32, #tpu.memory_space<vmem>>[vector<16xi32>, vector<16xi32>], vector<16xf32>,
          %gather3A_106 = tpu.vector_load_idx %run_scoped3A_11[%add3A_105] : memref<400xf32, #tpu.memory_space<vmem>>[vector<16xi32>], vector<16xf32>,
          %mul3A_107 = arith.mulf %gather3A_106, %gather3A : vector<16xf32>
          tpu.vector_store_idx %run_scoped3A[%add3A_105, %and3A_10], %mul3A_107 : memref<400x8xf32, #tpu.memory_space<vmem>>[vector<16xi32>, vector<16xi32>], vector<16xf32>,
          %mul3A_108 = arith.constant 4 : i32
          %mul3A_109 = arith.muli %scan3A_97, %mul3A_108 : i32
          %add3A_110 = arith.constant 1 : i32
          %add3A_111 = arith.addi %mul3A_109, %add3A_110 : i32
          %mul3A_112 = arith.constant 2 : i32
          %mul3A_113 = arith.muli %mul3A_112, %add3A_111 : i32
          %add3A_114 = vector.broadcast %mul3A_113 : i32 to vector<16xi32>
          %add3A_115 = arith.addi %shift_right_logical3A_8, %add3A_114 : vector<16xi32>
          %gather3A_116 = tpu.vector_load_idx %run_scoped3A[%add3A_115, %and3A_10] : memref<400x8xf32, #tpu.memory_space<vmem>>[vector<16xi32>, vector<16xi32>], vector<16xf32>,
          %gather3A_117 = tpu.vector_load_idx %run_scoped3A_11[%add3A_115] : memref<400xf32, #tpu.memory_space<vmem>>[vector<16xi32>], vector<16xf32>,
          %mul3A_118 = arith.mulf %gather3A_117, %gather3A_116 : vector<16xf32>
          tpu.vector_store_idx %run_scoped3A[%add3A_115, %and3A_10], %mul3A_118 : memref<400x8xf32, #tpu.memory_space<vmem>>[vector<16xi32>, vector<16xi32>], vector<16xf32>,
          %mul3A_119 = arith.constant 4 : i32
          %mul3A_120 = arith.muli %scan3A_97, %mul3A_119 : i32
          %add3A_121 = arith.constant 2 : i32
          %add3A_122 = arith.addi %mul3A_120, %add3A_121 : i32
          %mul3A_123 = arith.constant 2 : i32
          %mul3A_124 = arith.muli %mul3A_123, %add3A_122 : i32
          %add3A_125 = vector.broadcast %mul3A_124 : i32 to vector<16xi32>
          %add3A_126 = arith.addi %shift_right_logical3A_8, %add3A_125 : vector<16xi32>
          %gather3A_127 = tpu.vector_load_idx %run_scoped3A[%add3A_126, %and3A_10] : memref<400x8xf32, #tpu.memory_space<vmem>>[vector<16xi32>, vector<16xi32>], vector<16xf32>,
          %gather3A_128 = tpu.vector_load_idx %run_scoped3A_11[%add3A_126] : memref<400xf32, #tpu.memory_space<vmem>>[vector<16xi32>], vector<16xf32>,
          %mul3A_129 = arith.mulf %gather3A_128, %gather3A_127 : vector<16xf32>
          tpu.vector_store_idx %run_scoped3A[%add3A_126, %and3A_10], %mul3A_129 : memref<400x8xf32, #tpu.memory_space<vmem>>[vector<16xi32>, vector<16xi32>], vector<16xf32>,
          %mul3A_130 = arith.constant 4 : i32
          %mul3A_131 = arith.muli %scan3A_97, %mul3A_130 : i32
          %add3A_132 = arith.constant 3 : i32
          %add3A_133 = arith.addi %mul3A_131, %add3A_132 : i32
          %mul3A_134 = arith.constant 2 : i32
          %mul3A_135 = arith.muli %mul3A_134, %add3A_133 : i32
          %add3A_136 = vector.broadcast %mul3A_135 : i32 to vector<16xi32>
          %add3A_137 = arith.addi %shift_right_logical3A_8, %add3A_136 : vector<16xi32>
          %gather3A_138 = tpu.vector_load_idx %run_scoped3A[%add3A_137, %and3A_10] : memref<400x8xf32, #tpu.memory_space<vmem>>[vector<16xi32>, vector<16xi32>], vector<16xf32>,
          %gather3A_139 = tpu.vector_load_idx %run_scoped3A_11[%add3A_137] : memref<400xf32, #tpu.memory_space<vmem>>[vector<16xi32>], vector<16xf32>,
          %mul3A_140 = arith.mulf %gather3A_139, %gather3A_138 : vector<16xf32>
          tpu.vector_store_idx %run_scoped3A[%add3A_137, %and3A_10], %mul3A_140 : memref<400x8xf32, #tpu.memory_space<vmem>>[vector<16xi32>, vector<16xi32>], vector<16xf32>,
        }
        %scan3A_96 = arith.constant 50 : i32
        "tpu.region"() ({
          %run_scoped3A_97 = tpu.sem_alloc : memref<!tpu.dma_semaphore, #tpu.memory_space<semaphore_mem>>
          %dma_start3A_98 = arith.constant 0 : i32
          %dma_start3A_99 = tpu.memref_slice %arg6[%arg0, %add3A_77, %dma_start3A_98] : memref<2x102400x8xf32, #tpu.memory_space<hbm>> -> memref<1x400x8xf32, #tpu.memory_space<hbm>>
          %dma_start3A_100 = tpu.memref_squeeze %dma_start3A_99 : memref<1x400x8xf32, #tpu.memory_space<hbm>> -> memref<400x8xf32, #tpu.memory_space<hbm>>
          %dma_start3A_101 = arith.constant 0 : i32
          %dma_start3A_102 = tpu.memref_slice %arg6[%arg0, %add3A_77, %dma_start3A_101] : memref<2x102400x8xf32, #tpu.memory_space<hbm>> -> memref<1x400x8xf32, #tpu.memory_space<hbm>>
          %dma_start3A_103 = tpu.memref_squeeze %dma_start3A_102 : memref<1x400x8xf32, #tpu.memory_space<hbm>> -> memref<400x8xf32, #tpu.memory_space<hbm>>
          tpu.enqueue_dma source(%run_scoped3A : memref<400x8xf32, #tpu.memory_space<vmem>>) target(%dma_start3A_103 : memref<400x8xf32, #tpu.memory_space<hbm>>) target_semaphore(%run_scoped3A_97 : memref<!tpu.dma_semaphore, #tpu.memory_space<semaphore_mem>>)
          %dma_wait3A_104 = arith.constant 0 : i32
          %dma_wait3A_105 = tpu.memref_slice %arg6[%arg0, %add3A_77, %dma_wait3A_104] : memref<2x102400x8xf32, #tpu.memory_space<hbm>> -> memref<1x400x8xf32, #tpu.memory_space<hbm>>
          %dma_wait3A_106 = tpu.memref_squeeze %dma_wait3A_105 : memref<1x400x8xf32, #tpu.memory_space<hbm>> -> memref<400x8xf32, #tpu.memory_space<hbm>>
          %dma_wait3A_107 = arith.constant 0 : i32
          %dma_wait3A_108 = tpu.memref_slice %arg6[%arg0, %add3A_77, %dma_wait3A_107] : memref<2x102400x8xf32, #tpu.memory_space<hbm>> -> memref<1x400x8xf32, #tpu.memory_space<hbm>>
          %dma_wait3A_109 = tpu.memref_squeeze %dma_wait3A_108 : memref<1x400x8xf32, #tpu.memory_space<hbm>> -> memref<400x8xf32, #tpu.memory_space<hbm>>
          tpu.wait_dma2 semaphore(%run_scoped3A_97 : memref<!tpu.dma_semaphore, #tpu.memory_space<semaphore_mem>>) src(%run_scoped3A : memref<400x8xf32, #tpu.memory_space<vmem>>) dst(%dma_wait3A_109 : memref<400x8xf32, #tpu.memory_space<hbm>>)
          tpu.yield
        }) : () -> ()
      }
      %scan3A_71 = arith.constant 16 : i32
      tpu.yield
    }) : () -> ()
    return
  }
}

#map = affine_map<(d0, d1) -> (0)>
#map1 = affine_map<(d0, d1) -> (0, 0)>
module attributes {stable_mosaic.version = 14 : i64} {
  func.func @_deg_kernel(%arg0: i32, %arg1: i32, %arg2: memref<6422528xi32, #tpu.memory_space<hbm>>, %arg3: memref<2x102400xf32, #tpu.memory_space<hbm>>, %arg4: memref<102400xf32, #tpu.memory_space<vmem_shared>>) attributes {dimension_semantics = [#tpu.dimension_semantics<core_parallel>, #tpu.dimension_semantics<subcore_parallel>], iteration_bounds = array<i64: 2, 16>, scalar_prefetch = 0 : i64, scratch_operands = 1 : i64, tpu.core_type = #tpu.core_type<sc_vector_subcore>, window_params = [{transform_indices = #map}, {transform_indices = #map1}]} {
    %mul3A = arith.constant 16 : i32
    %mul3A_0 = arith.muli %arg0, %mul3A : i32
    %add3A = arith.addi %mul3A_0, %arg1 : i32
    %mul3A_1 = arith.constant 1568 : i32
    %mul3A_2 = arith.muli %add3A, %mul3A_1 : i32
    %mul3A_3 = arith.constant 128 : i32
    %mul3A_4 = arith.muli %mul3A_2, %mul3A_3 : i32
    "tpu.region"() ({
      %run_scoped3A = memref.alloca() : memref<6400xf32, #tpu.memory_space<vmem>>
      %run_scoped3A_5 = memref.alloca() : memref<896xi32, #tpu.memory_space<vmem>>
      %run_scoped3A_6 = memref.alloca() : memref<896xi32, #tpu.memory_space<vmem>>
      %run_scoped3A_7 = memref.alloca() : memref<896xf32, #tpu.memory_space<vmem>>
      %run_scoped3A_8 = tpu.sem_alloc : memref<!tpu.dma_semaphore, #tpu.memory_space<semaphore_mem>>
      %run_scoped3A_9 = tpu.sem_alloc : memref<!tpu.dma_semaphore, #tpu.memory_space<semaphore_mem>>
      %run_scoped3A_10 = tpu.sem_alloc : memref<!tpu.dma_semaphore, #tpu.memory_space<semaphore_mem>>
      %run_scoped3A_11 = tpu.sem_alloc : memref<!tpu.dma_semaphore, #tpu.memory_space<semaphore_mem>>
      %broadcast_in_dim3A = arith.constant 0.000000e+00 : f32
      %broadcast_in_dim3A_12 = vector.broadcast %broadcast_in_dim3A : f32 to vector<16xf32>
      %scan3A = arith.constant 0 : i32
      %scan3A_13 = arith.constant 0 : i32
      %scan3A_14 = arith.constant 400 : i32
      %scan3A_15 = arith.addi %scan3A_13, %scan3A_14 : i32
      %scan3A_16 = arith.constant 1 : i32
      scf.for %scan3A_37 = %scan3A_13 to %scan3A_15 step %scan3A_16  : i32 {
        %mul3A_38 = arith.constant 16 : i32
        %mul3A_39 = arith.muli %scan3A_37, %mul3A_38 : i32
        %swap3A = arith.index_cast %mul3A_39 : i32 to index
        %swap3A_40 = tpu.vector_load %run_scoped3A[%swap3A] {strides = array<i32>} : memref<6400xf32, #tpu.memory_space<vmem>>, vector<16xf32>,
        tpu.vector_store %run_scoped3A[%swap3A], %broadcast_in_dim3A_12 {strides = array<i32>} : memref<6400xf32, #tpu.memory_space<vmem>>, vector<16xf32>,
      }
      %scan3A_17 = arith.constant 400 : i32
      %scan3A_18 = arith.constant 0 : i32
      %scan3A_19 = arith.constant 0 : i32
      %scan3A_20 = arith.constant 56 : i32
      %scan3A_21 = arith.addi %scan3A_19, %scan3A_20 : i32
      %scan3A_22 = arith.constant 1 : i32
      scf.for %scan3A_37 = %scan3A_19 to %scan3A_21 step %scan3A_22  : i32 {
        %add3A_38 = arith.constant 1.000000e+00 : f32
        %add3A_39 = vector.broadcast %add3A_38 : f32 to vector<16xf32>
        %add3A_40 = arith.addf %broadcast_in_dim3A_12, %add3A_39 : vector<16xf32>
        %mul3A_41 = arith.constant 16 : i32
        %mul3A_42 = arith.muli %scan3A_37, %mul3A_41 : i32
        %swap3A = arith.index_cast %mul3A_42 : i32 to index
        %swap3A_43 = tpu.vector_load %run_scoped3A_7[%swap3A] {strides = array<i32>} : memref<896xf32, #tpu.memory_space<vmem>>, vector<16xf32>,
        tpu.vector_store %run_scoped3A_7[%swap3A], %add3A_40 {strides = array<i32>} : memref<896xf32, #tpu.memory_space<vmem>>, vector<16xf32>,
      }
      %scan3A_23 = arith.constant 56 : i32
      %mul3A_24 = arith.constant 6400 : i32
      %mul3A_25 = arith.muli %arg1, %mul3A_24 : i32
      "tpu.region"() ({
        %run_scoped3A_37 = tpu.sem_alloc : memref<!tpu.dma_semaphore, #tpu.memory_space<semaphore_mem>>
        %dma_start3A = tpu.memref_slice %arg4[%mul3A_25] : memref<102400xf32, #tpu.memory_space<vmem_shared>> -> memref<6400xf32, #tpu.memory_space<vmem_shared>>
        %dma_start3A_38 = tpu.memref_slice %arg4[%mul3A_25] : memref<102400xf32, #tpu.memory_space<vmem_shared>> -> memref<6400xf32, #tpu.memory_space<vmem_shared>>
        tpu.enqueue_dma source(%run_scoped3A : memref<6400xf32, #tpu.memory_space<vmem>>) target(%dma_start3A_38 : memref<6400xf32, #tpu.memory_space<vmem_shared>>) target_semaphore(%run_scoped3A_37 : memref<!tpu.dma_semaphore, #tpu.memory_space<semaphore_mem>>)
        %dma_wait3A = tpu.memref_slice %arg4[%mul3A_25] : memref<102400xf32, #tpu.memory_space<vmem_shared>> -> memref<6400xf32, #tpu.memory_space<vmem_shared>>
        %dma_wait3A_39 = tpu.memref_slice %arg4[%mul3A_25] : memref<102400xf32, #tpu.memory_space<vmem_shared>> -> memref<6400xf32, #tpu.memory_space<vmem_shared>>
        tpu.wait_dma2 semaphore(%run_scoped3A_37 : memref<!tpu.dma_semaphore, #tpu.memory_space<semaphore_mem>>) src(%run_scoped3A : memref<6400xf32, #tpu.memory_space<vmem>>) dst(%dma_wait3A_39 : memref<6400xf32, #tpu.memory_space<vmem_shared>>)
        tpu.yield
      }) : () -> ()
      %barrier3A = arith.constant 0 : index
      tpu.barrier barrier_id(%barrier3A)
      "tpu.region"() ({
        %run_scoped3A_37 = tpu.sem_alloc : memref<!tpu.dma_semaphore, #tpu.memory_space<semaphore_mem>>
        %dma_start3A = tpu.memref_slice %arg2[%mul3A_4] : memref<6422528xi32, #tpu.memory_space<hbm>> -> memref<896xi32, #tpu.memory_space<hbm>>
        %dma_start3A_38 = tpu.memref_slice %arg2[%mul3A_4] : memref<6422528xi32, #tpu.memory_space<hbm>> -> memref<896xi32, #tpu.memory_space<hbm>>
        tpu.enqueue_dma source(%dma_start3A_38 : memref<896xi32, #tpu.memory_space<hbm>>) target(%run_scoped3A_5 : memref<896xi32, #tpu.memory_space<vmem>>) target_semaphore(%run_scoped3A_37 : memref<!tpu.dma_semaphore, #tpu.memory_space<semaphore_mem>>)
        %dma_wait3A = tpu.memref_slice %arg2[%mul3A_4] : memref<6422528xi32, #tpu.memory_space<hbm>> -> memref<896xi32, #tpu.memory_space<hbm>>
        %dma_wait3A_39 = tpu.memref_slice %arg2[%mul3A_4] : memref<6422528xi32, #tpu.memory_space<hbm>> -> memref<896xi32, #tpu.memory_space<hbm>>
        tpu.wait_dma2 semaphore(%run_scoped3A_37 : memref<!tpu.dma_semaphore, #tpu.memory_space<semaphore_mem>>) src(%dma_wait3A_39 : memref<896xi32, #tpu.memory_space<hbm>>) dst(%run_scoped3A_5 : memref<896xi32, #tpu.memory_space<vmem>>)
        tpu.yield
      }) : () -> ()
      %scan3A_26 = arith.constant 0 : i32
      %scan3A_27 = arith.constant 0 : i32
      %scan3A_28 = arith.constant 112 : i32
      %scan3A_29 = arith.addi %scan3A_27, %scan3A_28 : i32
      %scan3A_30 = arith.constant 1 : i32
      scf.for %scan3A_37 = %scan3A_27 to %scan3A_29 step %scan3A_30  : i32 {
        %mul3A_38 = arith.constant 2 : i32
        %mul3A_39 = arith.muli %scan3A_37, %mul3A_38 : i32
        %mul3A_40 = arith.constant 896 : i32
        %mul3A_41 = arith.muli %mul3A_39, %mul3A_40 : i32
        %add3A_42 = arith.addi %mul3A_4, %mul3A_41 : i32
        %add3A_43 = arith.constant 896 : i32
        %add3A_44 = arith.addi %add3A_42, %add3A_43 : i32
        %dma_start3A = tpu.memref_slice %arg2[%add3A_44] : memref<6422528xi32, #tpu.memory_space<hbm>> -> memref<896xi32, #tpu.memory_space<hbm>>
        %dma_start3A_45 = tpu.memref_slice %arg2[%add3A_44] : memref<6422528xi32, #tpu.memory_space<hbm>> -> memref<896xi32, #tpu.memory_space<hbm>>
        tpu.enqueue_dma source(%dma_start3A_45 : memref<896xi32, #tpu.memory_space<hbm>>) target(%run_scoped3A_6 : memref<896xi32, #tpu.memory_space<vmem>>) target_semaphore(%run_scoped3A_9 : memref<!tpu.dma_semaphore, #tpu.memory_space<semaphore_mem>>)
        %dma_start3A_46 = arith.constant 0 : i32
        %dma_start3A_47 = tpu.memref_slice %arg4[%dma_start3A_46] : memref<102400xf32, #tpu.memory_space<vmem_shared>> -> memref<102400xf32, #tpu.memory_space<vmem_shared>>
        tpu.enqueue_indirect_dma source(%run_scoped3A_7 : memref<896xf32, #tpu.memory_space<vmem>>) target(%dma_start3A_47 : memref<102400xf32, #tpu.memory_space<vmem_shared>>) offsets(%run_scoped3A_5 : memref<896xi32, #tpu.memory_space<vmem>>) semaphore(%run_scoped3A_10 : memref<!tpu.dma_semaphore, #tpu.memory_space<semaphore_mem>>) {add = true}
        %dma_wait3A = tpu.memref_slice %arg2[%add3A_44] : memref<6422528xi32, #tpu.memory_space<hbm>> -> memref<896xi32, #tpu.memory_space<hbm>>
        %dma_wait3A_48 = tpu.memref_slice %arg2[%add3A_44] : memref<6422528xi32, #tpu.memory_space<hbm>> -> memref<896xi32, #tpu.memory_space<hbm>>
        tpu.wait_dma2 semaphore(%run_scoped3A_9 : memref<!tpu.dma_semaphore, #tpu.memory_space<semaphore_mem>>) src(%dma_wait3A_48 : memref<896xi32, #tpu.memory_space<hbm>>) dst(%run_scoped3A_6 : memref<896xi32, #tpu.memory_space<vmem>>)
        %dma_start3A_49 = arith.constant 0 : i32
        %dma_start3A_50 = tpu.memref_slice %arg4[%dma_start3A_49] : memref<102400xf32, #tpu.memory_space<vmem_shared>> -> memref<102400xf32, #tpu.memory_space<vmem_shared>>
        tpu.enqueue_indirect_dma source(%run_scoped3A_7 : memref<896xf32, #tpu.memory_space<vmem>>) target(%dma_start3A_50 : memref<102400xf32, #tpu.memory_space<vmem_shared>>) offsets(%run_scoped3A_6 : memref<896xi32, #tpu.memory_space<vmem>>) semaphore(%run_scoped3A_11 : memref<!tpu.dma_semaphore, #tpu.memory_space<semaphore_mem>>) {add = true}
        %dma_wait3A_51 = arith.constant 0 : i32
        %dma_wait3A_52 = tpu.memref_slice %arg4[%dma_wait3A_51] : memref<102400xf32, #tpu.memory_space<vmem_shared>> -> memref<102400xf32, #tpu.memory_space<vmem_shared>>
        tpu.wait_indirect_dma semaphore(%run_scoped3A_10 : memref<!tpu.dma_semaphore, #tpu.memory_space<semaphore_mem>>) src(%run_scoped3A_7 : memref<896xf32, #tpu.memory_space<vmem>>) dst(%dma_wait3A_52 : memref<102400xf32, #tpu.memory_space<vmem_shared>>)
        %mul3A_53 = arith.constant 2 : i32
        %mul3A_54 = arith.muli %mul3A_53, %scan3A_37 : i32
        %add3A_55 = arith.constant 2 : i32
        %add3A_56 = arith.addi %mul3A_54, %add3A_55 : i32
        %jit3A = arith.constant 224 : i32
        %eq3A = arith.constant 0 : i32
        %eq3A_57 = arith.cmpi eq, %jit3A, %eq3A : i32
        %jit3A_58 = arith.constant 1 : i32
        %select_n3A = arith.select %eq3A_57, %jit3A_58, %jit3A : i32
        %rem3A = arith.remsi %add3A_56, %select_n3A : i32
        %ne3A = arith.constant 0 : i32
        %ne3A_59 = arith.cmpi ne, %rem3A, %ne3A : i32
        %lt3A = arith.constant 0 : i32
        %lt3A_60 = arith.cmpi slt, %rem3A, %lt3A : i32
        %lt3A_61 = arith.constant 0 : i32
        %lt3A_62 = arith.cmpi slt, %select_n3A, %lt3A_61 : i32
        %ne3A_63 = arith.xori %lt3A_60, %lt3A_62 : i1
        %and3A = arith.andi %ne3A_63, %ne3A_59 : i1
        %add3A_64 = arith.addi %rem3A, %select_n3A : i32
        %select_n3A_65 = arith.select %and3A, %add3A_64, %rem3A : i32
        %mul3A_66 = arith.constant 896 : i32
        %mul3A_67 = arith.muli %select_n3A_65, %mul3A_66 : i32
        %add3A_68 = arith.addi %mul3A_4, %mul3A_67 : i32
        %dma_start3A_69 = tpu.memref_slice %arg2[%add3A_68] : memref<6422528xi32, #tpu.memory_space<hbm>> -> memref<896xi32, #tpu.memory_space<hbm>>
        %dma_start3A_70 = tpu.memref_slice %arg2[%add3A_68] : memref<6422528xi32, #tpu.memory_space<hbm>> -> memref<896xi32, #tpu.memory_space<hbm>>
        tpu.enqueue_dma source(%dma_start3A_70 : memref<896xi32, #tpu.memory_space<hbm>>) target(%run_scoped3A_5 : memref<896xi32, #tpu.memory_space<vmem>>) target_semaphore(%run_scoped3A_8 : memref<!tpu.dma_semaphore, #tpu.memory_space<semaphore_mem>>)
        %dma_wait3A_71 = arith.constant 0 : i32
        %dma_wait3A_72 = tpu.memref_slice %arg4[%dma_wait3A_71] : memref<102400xf32, #tpu.memory_space<vmem_shared>> -> memref<102400xf32, #tpu.memory_space<vmem_shared>>
        tpu.wait_indirect_dma semaphore(%run_scoped3A_11 : memref<!tpu.dma_semaphore, #tpu.memory_space<semaphore_mem>>) src(%run_scoped3A_7 : memref<896xf32, #tpu.memory_space<vmem>>) dst(%dma_wait3A_72 : memref<102400xf32, #tpu.memory_space<vmem_shared>>)
        %dma_wait3A_73 = tpu.memref_slice %arg2[%add3A_68] : memref<6422528xi32, #tpu.memory_space<hbm>> -> memref<896xi32, #tpu.memory_space<hbm>>
        %dma_wait3A_74 = tpu.memref_slice %arg2[%add3A_68] : memref<6422528xi32, #tpu.memory_space<hbm>> -> memref<896xi32, #tpu.memory_space<hbm>>
        tpu.wait_dma2 semaphore(%run_scoped3A_8 : memref<!tpu.dma_semaphore, #tpu.memory_space<semaphore_mem>>) src(%dma_wait3A_74 : memref<896xi32, #tpu.memory_space<hbm>>) dst(%run_scoped3A_5 : memref<896xi32, #tpu.memory_space<vmem>>)
      }
      %scan3A_31 = arith.constant 112 : i32
      %barrier3A_32 = arith.constant 0 : index
      tpu.barrier barrier_id(%barrier3A_32)
      %mul3A_33 = arith.constant 6400 : i32
      %mul3A_34 = arith.muli %arg1, %mul3A_33 : i32
      %mul3A_35 = arith.constant 6400 : i32
      %mul3A_36 = arith.muli %arg1, %mul3A_35 : i32
      "tpu.region"() ({
        %run_scoped3A_37 = tpu.sem_alloc : memref<!tpu.dma_semaphore, #tpu.memory_space<semaphore_mem>>
        %dma_start3A = tpu.memref_slice %arg3[%arg0, %mul3A_36] : memref<2x102400xf32, #tpu.memory_space<hbm>> -> memref<1x6400xf32, #tpu.memory_space<hbm>>
        %dma_start3A_38 = tpu.memref_squeeze %dma_start3A : memref<1x6400xf32, #tpu.memory_space<hbm>> -> memref<6400xf32, #tpu.memory_space<hbm>>
        %dma_start3A_39 = tpu.memref_slice %arg4[%mul3A_34] : memref<102400xf32, #tpu.memory_space<vmem_shared>> -> memref<6400xf32, #tpu.memory_space<vmem_shared>>
        tpu.enqueue_dma source(%dma_start3A_39 : memref<6400xf32, #tpu.memory_space<vmem_shared>>) target(%dma_start3A_38 : memref<6400xf32, #tpu.memory_space<hbm>>) target_semaphore(%run_scoped3A_37 : memref<!tpu.dma_semaphore, #tpu.memory_space<semaphore_mem>>)
        %dma_wait3A = tpu.memref_slice %arg3[%arg0, %mul3A_36] : memref<2x102400xf32, #tpu.memory_space<hbm>> -> memref<1x6400xf32, #tpu.memory_space<hbm>>
        %dma_wait3A_40 = tpu.memref_squeeze %dma_wait3A : memref<1x6400xf32, #tpu.memory_space<hbm>> -> memref<6400xf32, #tpu.memory_space<hbm>>
        %dma_wait3A_41 = tpu.memref_slice %arg4[%mul3A_34] : memref<102400xf32, #tpu.memory_space<vmem_shared>> -> memref<6400xf32, #tpu.memory_space<vmem_shared>>
        tpu.wait_dma2 semaphore(%run_scoped3A_37 : memref<!tpu.dma_semaphore, #tpu.memory_space<semaphore_mem>>) src(%dma_wait3A_41 : memref<6400xf32, #tpu.memory_space<vmem_shared>>) dst(%dma_wait3A_40 : memref<6400xf32, #tpu.memory_space<hbm>>)
        tpu.yield
      }) : () -> ()
      tpu.yield
    }) : () -> ()
    return
  }
}

module attributes {stable_mosaic.version = 14 : i64} {
  func.func @_hidden_body(%arg0: i32, %arg1: memref<2x2000x8xf32, #tpu.memory_space<vmem>>, %arg2: memref<8x16xf32, #tpu.memory_space<vmem>>, %arg3: memref<1x16xf32, #tpu.memory_space<vmem>>, %arg4: memref<2000x16xf32, #tpu.memory_space<vmem>>) attributes {dimension_semantics = [#tpu.dimension_semantics<arbitrary>], iteration_bounds = array<i64: 50>, scalar_prefetch = 0 : i64, scratch_operands = 0 : i64, tpu.core_type = #tpu.core_type<tc>, window_params = [{transform_indices = @transform_0, window_bounds = array<i64: 2, 2000, 8>}, {pipeline_mode = #tpu.pipeline_mode<synchronous>, transform_indices = @transform_1, window_bounds = array<i64: 8, 16>}, {pipeline_mode = #tpu.pipeline_mode<synchronous>, transform_indices = @transform_2, window_bounds = array<i64: 1, 16>}, {transform_indices = @transform_3, window_bounds = array<i64: 2000, 16>}]} {
    %get3A = arith.constant 0 : index
    %get3A_0 = arith.constant 0 : index
    %get3A_1 = arith.constant 0 : index
    %get3A_2 = vector.load %arg1[%get3A, %get3A_0, %get3A_1] : memref<2x2000x8xf32, #tpu.memory_space<vmem>>, vector<1x2000x8xf32>
    %get3A_3 = vector.shape_cast %get3A_2 : vector<1x2000x8xf32> to vector<2000x8xf32>
    %get3A_4 = arith.constant 1 : index
    %get3A_5 = arith.constant 0 : index
    %get3A_6 = arith.constant 0 : index
    %get3A_7 = vector.load %arg1[%get3A_4, %get3A_5, %get3A_6] : memref<2x2000x8xf32, #tpu.memory_space<vmem>>, vector<1x2000x8xf32>
    %get3A_8 = vector.shape_cast %get3A_7 : vector<1x2000x8xf32> to vector<2000x8xf32>
    %add3A = arith.addf %get3A_3, %get3A_8 : vector<2000x8xf32>
    %get3A_9 = arith.constant 0 : index
    %get3A_10 = arith.constant 0 : index
    %get3A_11 = vector.load %arg2[%get3A_9, %get3A_10] : memref<8x16xf32, #tpu.memory_space<vmem>>, vector<8x16xf32>
    %dot_general3A = arith.constant dense<0.000000e+00> : vector<2000x16xf32>
    %dot_general3A_12 = tpu.matmul %add3A, %get3A_11, %dot_general3A {dimension_numbers = #tpu.dot_dimension_numbers<[1], [0], [0], [1], [0, 0, 1, 1], [], []>, transpose_lhs_hint = false} : vector<2000x8xf32>, vector<8x16xf32>, vector<2000x16xf32> -> vector<2000x16xf32>
    %get3A_13 = arith.constant 0 : index
    %get3A_14 = arith.constant 0 : index
    %get3A_15 = vector.load %arg3[%get3A_13, %get3A_14] : memref<1x16xf32, #tpu.memory_space<vmem>>, vector<1x16xf32>
    %add3A_16 = vector.broadcast %get3A_15 : vector<1x16xf32> to vector<2000x16xf32>
    %add3A_17 = arith.addf %dot_general3A_12, %add3A_16 : vector<2000x16xf32>
    %swap3A = arith.constant 0 : index
    %swap3A_18 = arith.constant 0 : index
    %swap3A_19 = vector.load %arg4[%swap3A, %swap3A_18] : memref<2000x16xf32, #tpu.memory_space<vmem>>, vector<2000x16xf32>
    tpu.vector_store %arg4[%swap3A, %swap3A_18], %add3A_17 {strides = array<i32>} : memref<2000x16xf32, #tpu.memory_space<vmem>>, vector<2000x16xf32>,
    return
  }
  func.func @transform_0(%arg0: i32) -> (i32, i32, i32) {
    %c0_i32 = arith.constant 0 : i32
    %c0_i32_0 = arith.constant 0 : i32
    %c0_i32_1 = arith.constant 0 : i32
    return %c0_i32, %arg0, %c0_i32_0 : i32, i32, i32
  }
  func.func @transform_1(%arg0: i32) -> (i32, i32) {
    %c0_i32 = arith.constant 0 : i32
    %c0_i32_0 = arith.constant 0 : i32
    %c0_i32_1 = arith.constant 0 : i32
    return %c0_i32, %c0_i32_0 : i32, i32
  }
  func.func @transform_2(%arg0: i32) -> (i32, i32) {
    %c0_i32 = arith.constant 0 : i32
    %c0_i32_0 = arith.constant 0 : i32
    %c0_i32_1 = arith.constant 0 : i32
    return %c0_i32, %c0_i32_0 : i32, i32
  }
  func.func @transform_3(%arg0: i32) -> (i32, i32) {
    %c0_i32 = arith.constant 0 : i32
    %c0_i32_0 = arith.constant 0 : i32
    return %arg0, %c0_i32 : i32, i32
  }
}

module attributes {stable_mosaic.version = 14 : i64} {
  func.func @_lin_body(%arg0: i32, %arg1: memref<2000x80xf32, #tpu.memory_space<vmem>>, %arg2: memref<80x445xf32, #tpu.memory_space<vmem>>, %arg3: memref<1x445xf32, #tpu.memory_space<vmem>>, %arg4: memref<2000x445xf32, #tpu.memory_space<vmem>>) attributes {dimension_semantics = [#tpu.dimension_semantics<arbitrary>], iteration_bounds = array<i64: 10>, scalar_prefetch = 0 : i64, scratch_operands = 0 : i64, tpu.core_type = #tpu.core_type<tc>, window_params = [{transform_indices = @transform_0, window_bounds = array<i64: 2000, 80>}, {pipeline_mode = #tpu.pipeline_mode<synchronous>, transform_indices = @transform_1, window_bounds = array<i64: 80, 445>}, {pipeline_mode = #tpu.pipeline_mode<synchronous>, transform_indices = @transform_2, window_bounds = array<i64: 1, 445>}, {transform_indices = @transform_3, window_bounds = array<i64: 2000, 445>}]} {
    %get3A = arith.constant 0 : index
    %get3A_0 = arith.constant 0 : index
    %get3A_1 = vector.load %arg1[%get3A, %get3A_0] : memref<2000x80xf32, #tpu.memory_space<vmem>>, vector<2000x80xf32>
    %max3A = arith.constant 0.000000e+00 : f32
    %max3A_2 = vector.broadcast %max3A : f32 to vector<2000x80xf32>
    %max3A_3 = arith.maximumf %get3A_1, %max3A_2 : vector<2000x80xf32>
    %get3A_4 = arith.constant 0 : index
    %get3A_5 = arith.constant 0 : index
    %get3A_6 = vector.load %arg2[%get3A_4, %get3A_5] : memref<80x445xf32, #tpu.memory_space<vmem>>, vector<80x445xf32>
    %dot_general3A = arith.constant dense<0.000000e+00> : vector<2000x445xf32>
    %dot_general3A_7 = tpu.matmul %max3A_3, %get3A_6, %dot_general3A {dimension_numbers = #tpu.dot_dimension_numbers<[1], [0], [0], [1], [0, 0, 1, 1], [], []>, transpose_lhs_hint = false} : vector<2000x80xf32>, vector<80x445xf32>, vector<2000x445xf32> -> vector<2000x445xf32>
    %get3A_8 = arith.constant 0 : index
    %get3A_9 = arith.constant 0 : index
    %get3A_10 = vector.load %arg3[%get3A_8, %get3A_9] : memref<1x445xf32, #tpu.memory_space<vmem>>, vector<1x445xf32>
    %add3A = vector.broadcast %get3A_10 : vector<1x445xf32> to vector<2000x445xf32>
    %add3A_11 = arith.addf %dot_general3A_7, %add3A : vector<2000x445xf32>
    %swap3A = arith.constant 0 : index
    %swap3A_12 = arith.constant 0 : index
    %swap3A_13 = vector.load %arg4[%swap3A, %swap3A_12] : memref<2000x445xf32, #tpu.memory_space<vmem>>, vector<2000x445xf32>
    tpu.vector_store %arg4[%swap3A, %swap3A_12], %add3A_11 {strides = array<i32>} : memref<2000x445xf32, #tpu.memory_space<vmem>>, vector<2000x445xf32>,
    return
  }
  func.func @transform_0(%arg0: i32) -> (i32, i32) {
    %c0_i32 = arith.constant 0 : i32
    %c0_i32_0 = arith.constant 0 : i32
    return %arg0, %c0_i32 : i32, i32
  }
  func.func @transform_1(%arg0: i32) -> (i32, i32) {
    %c0_i32 = arith.constant 0 : i32
    %c0_i32_0 = arith.constant 0 : i32
    %c0_i32_1 = arith.constant 0 : i32
    return %c0_i32, %c0_i32_0 : i32, i32
  }
  func.func @transform_2(%arg0: i32) -> (i32, i32) {
    %c0_i32 = arith.constant 0 : i32
    %c0_i32_0 = arith.constant 0 : i32
    %c0_i32_1 = arith.constant 0 : i32
    return %c0_i32, %c0_i32_0 : i32, i32
  }
  func.func @transform_3(%arg0: i32) -> (i32, i32) {
    %c0_i32 = arith.constant 0 : i32
    %c0_i32_0 = arith.constant 0 : i32
    return %arg0, %c0_i32 : i32, i32
  }
}

</mosaic_0001>

<sc_bundles>
// kernel: kernel.6.cloned.1.call-start
scs
__scs_entry_jumppad:
0x0: {  	(pc) =	sbr.rel $0x88, $3  }
0x1: {  	(tag) =	ssettag $0x0;
	lr =	simm.s32 $0x1  }
0x2: {  	[smem:$0x3F9B] =	sst lr;
	_ =	strace $0xD0000000  }
0x3: {  	_ = 	snop  }
0x4: {  	_ = 	snop  }
0x5: {  	_ = 	snop  }
0x6: {  	_ = 	snop  }
0x7: {  	_ = 	snop  }
__scs_overlays_trampoline_lowered:
0x8: {  	[smem:$0x3FAA] =	sst s0  }
0x9: {  	[smem:$0x3FAB] =	sst s1  }
0xa: {  	[smem:$0x3FAC] =	sst s2  }
0xb: {  	[smem:$0x3FAD] =	sst s3  }
0xc: {  	[smem:$0x3FAE] =	sst s4  }
0xd: {  	[smem:$0x3FAF] =	sst s5  }
0xe: {  	[smem:$0x3FB0] =	sst s6  }
0xf: {  	[smem:$0x3FB1] =	sst s7  }
0x10: {  	[smem:$0x3FB2] =	sst s8  }
0x11: {  	[smem:$0x3FB3] =	sst s9;
	s0 =	simm.s32 @!p0 $0x0  }
0x12: {  	s1 =	sld [smem:$0x3F99];
	s0 =	simm.s32 @p0 $0x1  }
0x13: {  	[smem:$0x3FB4] =	sst s0;
	s0 =	simm.s32 @!p1 $0x0  }
0x14: {  	s2 =	sld [smem:$0x3F98];
	s0 =	simm.s32 @p1 $0x1  }
0x15: {  	[smem:$0x3FB5] =	sst s0;
	s0 =	simm.s32 @!p2 $0x0  }
0x16: {  	s3 =	sld [smem:$0x3FDB];
	s0 =	simm.s32 @p2 $0x1  }
0x17: {  	s4 =	simm.s32 $0x1BF5;
	[smem:$0x3FB7] =	sst s0  }
0x18: {  	s0 =	sld [smem:$0x3F9A];
	_ =	swait.ge [sflag:s4], $0x0  }
0x19: {  	s7 =	sld [smem:$0x3F9B]  }
0x1a: {  	s8 =	sadd.s32 $0xFFFFE003, lr  }
0x1b: {  	s9 =	sadd.s32 $0xFFFFFEF7, lr;
	s5 =	simm.s32 $0xFFFFFFFF;
	p2 =	slt.u32 s8, $0xFFFFF086  }
0x1c: {  	p1 =	slt.u32 s9, $0xF7A;
	s5 =	simm.s32 @!p2 $0x0  }
0x1d: {  	s5 =	simm.s32 @p1 $0x1;
	p0 =	seq.s32 s7, s2  }
0x1e: {  	s7 =	smul.u32 @!p0 $0xF7A, s2;
	p2 =	seq.s32 @!p0 s5, $0x0  }
0x1f: {  	s9 =	smul.u32 $0xF7A, s1;
	s8 =	simm.s32 @!p0 $0x1BF5;
	p2 =	por !p2, p0  }
0x20: {  	[sflag:s8] =	ssyncset.s32 @!p0 $0xFFFFF086;
	s6 =	sadd.s32 @!p0 s3, s7;
	s7 =	simm.s32 @!p0 $0x108  }
0x21: {  	s3 =	sadd.s32 s3, s9;
	s6 =	sadd.s32 @!p0 $0x88, s6;
	s7 =	simm.s32 @p2 $0x1082  }
0x22: {  	[simem:s7], [sflag:s8] =	dma.local @!p0 [hbm:s6], $0xF7A  }
0x23: {  	s9 =	sor.u32 $0xD0000000, s2;
	s6 =	simm.s32 $0x108;
	_ =	swait.ge @!p0 [sflag:s8], $0x0  }
0x24: {  	s3 =	sadd.s32 $0x88, s3;
	s6 =	simm.s32 @!p1 $0x1082;
	[sflag:s4] =	ssyncset.s32 $0xFFFFF086  }
0x25: {  	[simem:s6], [sflag:s4] =	dma.local [hbm:s3], $0xF7A  }
0x26: {  	[smem:$0x3F9B] =	sst s1;
	(tag) =	ssettag s2;
	_ =	strace s9  }
0x27: {  	s1 =	sld [smem:$0x3FAB]  }
0x28: {  	s2 =	sld [smem:$0x3FAC]  }
0x29: {  	s4 =	sld [smem:$0x3FAE]  }
0x2a: {  	p0 =	seq.s32 s5, $0x0;
	s5 =	sld [smem:$0x3FAF]  }
0x2b: {  	s6 =	sld [smem:$0x3FB0]  }
0x2c: {  	s7 =	sld [smem:$0x3FB1]  }
0x2d: {  	s3 =	simm.s32 $0x108;
	s8 =	sld [smem:$0x3FB2]  }
0x2e: {  	s3 =	simm.s32 @!p0 $0x1082;
	s9 =	sld [smem:$0x3FB3]  }
0x2f: {  	lr =	sadd.s32 s0, s3;
	s0 =	sld [smem:$0x3FAA]  }
0x30: {  	s3 =	sld [smem:$0x3FAD]  }
0x31: {  	[smem:$0x3FB6] =	sst s10  }
0x32: {  	s10 =	sld [smem:$0x3FB4];
	_ =	sdelay $0x3  }
0x33: {  	p0 =	seq.s32 s10, $0x1;
	s10 =	sld [smem:$0x3FB6];
	_ =	sdelay $0x3  }
0x34: {  	[smem:$0x3FB6] =	sst s10  }
0x35: {  	s10 =	sld [smem:$0x3FB5];
	_ =	sdelay $0x3  }
0x36: {  	p1 =	seq.s32 s10, $0x1;
	s10 =	sld [smem:$0x3FB6];
	_ =	sdelay $0x3  }
0x37: {  	[smem:$0x3FB6] =	sst s10  }
0x38: {  	s10 =	sld [smem:$0x3FB7]  }
0x39: {  	_ = 	snop;
	(pc) =	sbr.ind lr, $3  }
0x3a: {  	_ = 	snop  }
0x3b: {  	_ = 	snop  }
0x3c: {  	p2 =	seq.s32 s10, $0x1;
	s10 =	sld [smem:$0x3FB6]  }
0x3d: {  	_ =	shalt  }
0x3e: {  	_ =	shalt  }
0x3f: {  	_ =	shalt  }
0x40: {  	_ =	shalt  }
0x41: {  	_ =	shalt  }
0x42: {  	_ =	shalt  }
0x43: {  	_ =	shalt  }
0x44: {  	_ =	shalt  }
0x45: {  	_ =	shalt  }
0x46: {  	_ =	shalt  }
0x47: {  	_ =	shalt  }
0x48: {  	_ =	shalt  }
0x49: {  	_ =	shalt  }
0x4a: {  	_ =	shalt  }
0x4b: {  	_ =	shalt  }
0x4c: {  	_ =	shalt  }
0x4d: {  	_ =	shalt  }
0x4e: {  	_ =	shalt  }
0x4f: {  	_ =	shalt  }
0x50: {  	_ =	shalt  }
0x51: {  	_ =	shalt  }
0x52: {  	_ =	shalt  }
0x53: {  	_ =	shalt  }
0x54: {  	_ =	shalt  }
0x55: {  	_ =	shalt  }
0x56: {  	_ =	shalt  }
0x57: {  	_ =	shalt  }
0x58: {  	_ =	shalt  }
0x59: {  	_ =	shalt  }
0x5a: {  	_ =	shalt  }
0x5b: {  	_ =	shalt  }
0x5c: {  	_ =	shalt  }
0x5d: {  	_ =	shalt  }
0x5e: {  	_ =	shalt  }
0x5f: {  	_ =	shalt  }
0x60: {  	_ =	shalt  }
0x61: {  	_ =	shalt  }
0x62: {  	_ =	shalt  }
0x63: {  	_ =	shalt  }
0x64: {  	_ =	shalt  }
0x65: {  	_ =	shalt  }
0x66: {  	_ =	shalt  }
0x67: {  	_ =	shalt  }
0x68: {  	_ =	shalt  }
0x69: {  	_ =	shalt  }
0x6a: {  	_ =	shalt  }
0x6b: {  	_ =	shalt  }
0x6c: {  	_ =	shalt  }
0x6d: {  	_ =	shalt  }
0x6e: {  	_ =	shalt  }
0x6f: {  	_ =	shalt  }
0x70: {  	_ =	shalt  }
0x71: {  	_ =	shalt  }
0x72: {  	_ =	shalt  }
0x73: {  	_ =	shalt  }
0x74: {  	_ =	shalt  }
0x75: {  	_ =	shalt  }
0x76: {  	_ =	shalt  }
0x77: {  	_ =	shalt  }
0x78: {  	_ =	shalt  }
0x79: {  	_ =	shalt  }
0x7a: {  	_ =	shalt  }
0x7b: {  	_ =	shalt  }
0x7c: {  	_ =	shalt  }
0x7d: {  	_ =	shalt  }
0x7e: {  	_ =	shalt  }
0x7f: {  	_ =	shalt  }
0x80: {  	_ =	shalt  }
0x81: {  	_ =	shalt  }
0x82: {  	_ =	shalt  }
0x83: {  	_ =	shalt  }
0x84: {  	_ =	shalt  }
0x85: {  	_ =	shalt  }
0x86: {  	_ =	shalt  }
0x87: {  	_ =	shalt  }
.Lfunc_end0:
.L_simem_size_0:
called_computation.1_lowered:
.L_overlay_start_0:
0x88: {  	s2 =	sld [smem:$0x3FD9]  }
0x89: {  	s3 =	sld [smem:$0x3FFE];
	_ =	sdelay $0x1  }
0x8a: {  	s1 =	srdreg.scid  }
0x8b: {  	s0 =	sand.u32 $0x1, s1  }
0x8c: {  	s16 =	sshll.u32 s0, $0xA;
	s2 =	sadd.s32 s3, s2  }
0x8d: {  	s2 =	sadd.s32 s2, s16  }
0x8e: {  	[smem:$0x3FC2] =	sst s2  }
0x8f: {  	_ = 	snop  }
0x90: {  	(tm) =	ssettm $0x1  }
0x91: {  	s17 =	sld [smem:$0x3FFB];
	_ =	sdelay $0x3  }
0x92: {  	_ =	strace s17  }
0x93: {  	s2 =	sld [smem:$0x3FFC];
	_ =	sdelay $0x3  }
0x94: {  	_ =	strace s2  }
0x95: {  	s2 =	sld [smem:$0x3FFD];
	_ =	sdelay $0x3  }
0x96: {  	_ =	strace s2  }
0x97: {  	_ =	strace $0x8FFFFFFF  }
0x98: {  	s18 =	sld [smem:$0x3FDB];
	_ =	sdelay $0x1  }
0x99: {  	s19 =	simm.s32 $_scs_section_size  }
0x9a: {  	s4 =	simm.s32 $_size__tile_overlayer_lowered;
	s5 =	simm.s32 $_tile_overlayer_lowered  }
0x9b: {  	s22 =	simm.s32 $0x1BFF;
	s21 =	sshll.u32 s5, $0x1;
	s2 =	sadd.s32 s19, s18  }
0x9c: {  	s6 =	simm.s32 $0x0;
	s20 =	sshll.u32 s4, $0x1;
	s4 =	sadd.s32 s21, s2  }
0x9d: {  	[timem:s6], [sflag:s22] =	dma.local [hbm:s4], s20  }
0x9e: {  	_ =	swait.ge [sflag:s22], s20  }
0x9f: {  	s3 =	ssub.s32 $0x0, s20;
	[sflag:s22] =	ssyncset.done $0x0  }
0xa0: {  	[sflag:s22] =	ssyncadd.s32 s3;
	_ =	sdelay $0x1  }
0xa1: {  	s23 =	simm.s32 $0x1B8B  }
0xa2: {  	_ =	swait.ge [sflag:s23], $0x1  }
0xa3: {  	[sflag:s23] =	ssyncset.done $0x0  }
0xa4: {  	s25 =	simm.s32 $0x1B8E;
	s24 =	sld [smem:$0x3FFE];
	[sflag:s23] =	ssyncadd.s32 $0xFFFFFFFF  }
0xa5: {  	s26 =	simm.s32 $execute0_lowered;
	[smem:$0x3FD2] =	sst s25  }
0xa6: {  	s4 =	sshll.u32 s26, $0x1;
	_ =	strace $0x80000046;
	[dreg:$0x1] =	wrdreg $0xFFFFFFFF  }
0xa7: {  	s28 =	simm.s32 $_size_execute0_lowered;
	s2 =	sadd.s32 s2, s4;
	[dreg:$0x0] =	wrdreg $0x0  }
0xa8: {  	s4 =	sshll.u32 s28, $0x1;
	[dreg:$0x2] =	wrdreg s2  }
0xa9: {  	[dreg:$0x3] =	wrdreg s4  }
0xaa: {  	[dreg:$0x4] =	wrdreg $0xC0  }
0xab: {  	_ =	task [dreg:s6], $0x5FFFF  }
0xac: {  	[dreg:$0x1] =	wrdreg $0xFFFFFFFF  }
0xad: {  	[dreg:$0x0] =	wrdreg $0x60  }
0xae: {  	[dreg:$0x2] =	wrdreg s24  }
0xaf: {  	[dreg:$0x3] =	wrdreg $0x0  }
0xb0: {  	[dreg:$0x4] =	wrdreg $0x9  }
0xb1: {  	_ =	task.clear_ibuf [dreg:s6], $0x5FFFF;
	_ =	strace $0x90000046  }
0xb2: {  	s29 =	simm.s32 $0x9;
	_ =	strace $0x80000048  }
0xb3: {  	_ =	swait.ge [sflag:s29], $0x1  }
0xb4: {  	[sflag:s29] =	ssyncadd.s32 $0xFFFFFFFF  }
0xb5: {  	_ =	strace $0x90000048  }
0xb6: {  	_ =	sfence  }
0xb7: {  	s30 =	sld [smem:$0x0];
	_ =	sdelay $0x2  }
0xb8: {  	s31 =	sshll.u32 s1, $0xD;
	s1 =	sshrl.u32 s1, $0x2  }
0xb9: {  	s3 =	sand.u32 $0x4000, s31;
	s1 =	sadd.s32 s1, s30  }
0xba: {  	s0 =	sor.u32 s3, s0;
	s1 =	sshll.u32 s1, $0x11  }
0xbb: {  	s0 =	sor.u32 s1, s0  }
0xbc: {  	s0 =	sadd.s32 $0x8F2B, s0  }
0xbd: {  	[sflag:s0] =	ssyncadd.remote.s32 $0x1  }
0xbe: {  	_ =	sfence.sel $0xFFFF  }
0xbf: {  	[dreg:$0x0] =	wrdreg $0xFFFFFFFF;
	(pc) =	sbr.abs _section_cstart, $3  }
0xc0: {  	[dreg:$0x1] =	wrdreg $0xFFFFFFFF  }
0xc1: {  	_ =	task.clear_ibuf [dreg:s6], $0x2FFFF;
	_ =	strace $0x9FFFFFFF  }
0xc2: {  	(tm) =	ssettm $0x7FFFFFFF  }
0xc3: {  	_ =	shalt  }
tec
execute0_lowered:
.L_overlay_start_1:
0x0: {  	(tag) =	ssettag $0x1  }
0x1: {  	s4 =	rddreg [dreg:$0x0]  }
0x2: {  	s2 =	rddreg [dreg:$0x1];
	s3 =	srdreg.scid  }
0x3: {  	s0 =	rddreg [dreg:$0x2];
	s1 =	stileid.u32  }
0x4: {  	s13 =	simm.s32 $0x3200;
	s14 =	simm.s32 $0x3580;
	s15 =	simm.s32 $0x380  }
0x5: {  	s16 =	simm.s32 $0x3900;
	s17 =	simm.s32 $0x2;
	s18 =	simm.s32 $0x3  }
0x6: {  	s19 =	simm.s32 $0x4;
	s20 =	simm.s32 $0x1;
	s21 =	simm.s32 $0x0  }
0x7: {  	s5 =	sand.u32 $0x1, s3;
	s3 =	simm.s32 $0x0;
	s6 =	smul.u32 $0x1900, s1  }
0x8: {  	s11 =	smul.u32 $0x31000, s1;
	s12 =	sadd.s32 $0x1800, s4;
	s7 =	sshll.u32 s5, $0x4  }
0x9: {  	[smem:$0x7FF] =	sst s3;
	s8 =	smul.u32 $0x19000, s5;
	s9 =	ssub.s32 $0x2, s5  }
0xa: {  	s5 =	smul.u32 $0x310000, s5;
	s7 =	sor.u32 s1, s7;
	_ =	strace $0x80000047  }
0xb: {  	s10 =	sshrl.u32 s9, $0x1;
	s7 =	smul.u32 $0x31000, s7;
	s8 =	sadd.s32 s6, s8  }
0xc: {  	s9 =	ssub.s32 s9, s10;
	s29 =	sadd.s32 s11, s5;
	s11 =	simm.s32 $0x1900  }
0xd: {  	s8 =	sshrl.u32 s8, $0x3;
	s30 =	sor.u32 $0x700, s29;
	s10 =	sor.u32 $0x380, s29  }
0xe: {  	s8 =	sadd.s32 s8, s4;
	s4 =	sadd.s32 s6, s2;
	s28 =	sshrl.u32 s7, $0x3  }
0xf: {  	s7 =	smax.u32 s9, $0x1;
	s31 =	sshrl.u32 s30, $0x3;
	s10 =	sshrl.u32 s10, $0x3  }
0x10: {  	s5 =	sadd.s32 s12, s28;
	s6 =	sadd.s32 $0xC5800, s8;
	s9 =	sadd.s32 s31, s12  }
0x11: {  	v0 =	vimm.f32 $0.0e+00;
	v1 =	vimm.f32 $1.000000000e+00;
	s10 =	sadd.s32 s10, s12;
	s12 =	simm.s32 $0x5;
	s8 =	sadd.s32 $0x6190, s5  }
.LBB2_1:
0x12: {  	s22 =	simm.s32 $0x0  }
.LBB2_2:
0x13: {  	p0 =	sne.s32 s22, $0x63C0  }
.Ltmp0:
0x14: {  	_ = 	snop;
	(pc) =	sbr.rel @p0 .LBB2_2-.Ltmp0, $3  }
0x15: {  	_ =	sdelay $0x1  }
0x16: {  	s23 =	sshra.s32 s22, $0x2  }
0x17: {  	s22 =	sadd.s32 $0x40, s22;
	[tilespmem:s23+$0x1900] =	vst v0  }
0x18: {  	s22 =	simm.s32 $0x40;
	s23 =	simm.s32 $0x0  }
.LBB2_4:
0x19: {  	p0 =	sne.s32 s22, $0xDC0;
	[tilespmem:s23+$0x3900] =	vst v1;
	s23 =	smov.u32 s22;
	s22 =	sadd.s32 $0x40, s22  }
.Ltmp1:
0x1a: {  	(pc) =	sbr.rel @p0 .LBB2_4-.Ltmp1, $2  }
0x1b: {  	_ =	sdelay $0x2  }
0x1c: {  	s23 =	sshra.s32 s23, $0x2  }
0x1d: {  	[tilespmem:s23+$0x3900] =	vst v1  }
0x1e: {  	[spmem:s4] =	stream.linear.scatter [tilespmem:s11], [sflag:$0x5], $0x1900, $0x38;
	[tilespmem:$0x3C80] =	vst v63  }
0x1f: {  	_ =	swait.ge [sflag:s12], $0x1900  }
0x20: {  	[sflag:s12] =	ssyncset.done $0x0  }
0x21: {  	[sflag:s12] =	ssyncadd.s32 $0xFFFFE700  }
0x22: {  	s22 =	simm.s32 $0x0;
	[bflag:$0x0] =	sbarrier.arrive $0xFFFF  }
0x23: {  	[tilespmem:s13], [sflag:$0x5] =	stream.linear.gather [hbm4b:s5+s22], $0x380, $0x38;
	[tilespmem:$0x3C80] =	vst v63  }
0x24: {  	_ =	swait.ge [sflag:s12], $0x380  }
0x25: {  	[sflag:s12] =	ssyncset.done $0x0  }
0x26: {  	s30 =	sadd.s32 $0x0, s10;
	[sflag:s12] =	ssyncadd.s32 $0xFFFFFC80  }
0x27: {  	[tilespmem:s14], [sflag:$0x2] =	stream.linear.gather [hbm4b:s30+s3], $0x380, $0x38;
	[tilespmem:$0x3C80] =	vst v63  }
0x28: {  	_ = 	snop  }
0x29: {  	[spmem:s2] =	stream.indirect.scatter.add.f32 [tilespmem:s16], [sflag:$0x3], $0x1, s13, s15, $0xb8;
	[tilespmem:$0x3C80] =	vst v63  }
0x2a: {  	_ =	swait.ge [sflag:s17], $0x380  }
0x2b: {  	[sflag:s17] =	ssyncset.done $0x0  }
0x2c: {  	[sflag:s17] =	ssyncadd.s32 $0xFFFFFC80  }
0x2d: {  	[spmem:s2] =	stream.indirect.scatter.add.f32 [tilespmem:s16], [sflag:$0x4], $0x1, s14, s15, $0xb8;
	[tilespmem:$0x3C80] =	vst v63  }
0x2e: {  	_ =	swait.ge [sflag:s18], $0x380  }
0x2f: {  	[sflag:s18] =	ssyncset.done $0x0  }
0x30: {  	s31 =	sadd.s32 $0x0, s9;
	[sflag:s18] =	ssyncadd.s32 $0xFFFFFC80  }
0x31: {  	[tilespmem:s13], [sflag:$0x1] =	stream.linear.gather [hbm4b:s31+s3], $0x380, $0x38;
	[tilespmem:$0x3C80] =	vst v63  }
0x32: {  	_ =	swait.ge [sflag:s19], $0x380  }
0x33: {  	[sflag:s19] =	ssyncset.done $0x0  }
0x34: {  	[sflag:s19] =	ssyncadd.s32 $0xFFFFFC80  }
0x35: {  	_ =	swait.ge [sflag:s20], $0x380  }
0x36: {  	s23 =	simm.s32 $0x1C0;
	s22 =	simm.s32 $0xE0;
	[sflag:s20] =	ssyncset.done $0x0  }
.LBB2_6:
0x37: {  	s24 =	sadd.s32 s22, s10  }
0x38: {  	[sflag:s20] =	ssyncadd.s32 $0xFFFFFC80;
	s25 =	smov.u32 s23;
	s26 =	sadd.s32 $0xE0, s23  }
0x39: {  	[tilespmem:s14], [sflag:$0x2] =	stream.linear.gather [hbm4b:s24+s3], $0x380, $0x38;
	[tilespmem:$0x3C80] =	vst v63  }
0x3a: {  	p0 =	sne.s32 s23, $0x6040  }
0x3b: {  	[spmem:s2] =	stream.indirect.scatter.add.f32 [tilespmem:s16], [sflag:$0x3], $0x1, s13, s15, $0xb8;
	[tilespmem:$0x3C80] =	vst v63  }
0x3c: {  	_ =	swait.ge [sflag:s17], $0x380  }
0x3d: {  	[sflag:s17] =	ssyncset.done $0x0  }
0x3e: {  	[sflag:s17] =	ssyncadd.s32 $0xFFFFFC80  }
0x3f: {  	[spmem:s2] =	stream.indirect.scatter.add.f32 [tilespmem:s16], [sflag:$0x4], $0x1, s14, s15, $0xb8;
	[tilespmem:$0x3C80] =	vst v63  }
0x40: {  	_ =	swait.ge [sflag:s18], $0x380  }
0x41: {  	[sflag:s18] =	ssyncset.done $0x0  }
0x42: {  	s23 =	sadd.s32 s22, s9;
	s22 =	smov.u32 s25;
	[sflag:s18] =	ssyncadd.s32 $0xFFFFFC80  }
0x43: {  	[tilespmem:s13], [sflag:$0x1] =	stream.linear.gather [hbm4b:s23+s3], $0x380, $0x38;
	[tilespmem:$0x3C80] =	vst v63  }
.Ltmp2:
0x44: {  	_ =	swait.ge [sflag:s19], $0x380;
	(pc) =	sbr.rel @p0 .LBB2_6-.Ltmp2, $4  }
0x45: {  	[sflag:s19] =	ssyncset.done $0x0  }
0x46: {  	[sflag:s19] =	ssyncadd.s32 $0xFFFFFC80  }
0x47: {  	_ =	swait.ge [sflag:s20], $0x380  }
0x48: {  	s23 =	smov.u32 s26;
	[sflag:s20] =	ssyncset.done $0x0  }
0x49: {  	s23 =	sadd.s32 s22, s10;
	[sflag:s20] =	ssyncadd.s32 $0xFFFFFC80  }
0x4a: {  	[tilespmem:s14], [sflag:$0x2] =	stream.linear.gather [hbm4b:s23+s3], $0x380, $0x38;
	[tilespmem:$0x3C80] =	vst v63  }
0x4b: {  	_ = 	snop  }
0x4c: {  	[spmem:s2] =	stream.indirect.scatter.add.f32 [tilespmem:s16], [sflag:$0x3], $0x1, s13, s15, $0xb8;
	[tilespmem:$0x3C80] =	vst v63  }
0x4d: {  	_ =	swait.ge [sflag:s17], $0x380  }
0x4e: {  	[sflag:s17] =	ssyncset.done $0x0  }
0x4f: {  	[sflag:s17] =	ssyncadd.s32 $0xFFFFFC80  }
0x50: {  	[spmem:s2] =	stream.indirect.scatter.add.f32 [tilespmem:s16], [sflag:$0x4], $0x1, s14, s15, $0xb8;
	[tilespmem:$0x3C80] =	vst v63  }
0x51: {  	_ =	swait.ge [sflag:s18], $0x380  }
0x52: {  	[sflag:s18] =	ssyncset.done $0x0  }
0x53: {  	s29 =	sadd.s32 s22, s9;
	[sflag:s18] =	ssyncadd.s32 $0xFFFFFC80  }
0x54: {  	[tilespmem:s13], [sflag:$0x1] =	stream.linear.gather [hbm4b:s29+s3], $0x380, $0x38;
	[tilespmem:$0x3C80] =	vst v63  }
0x55: {  	_ =	swait.ge [sflag:s19], $0x380  }
0x56: {  	[sflag:s19] =	ssyncset.done $0x0  }
0x57: {  	[sflag:s19] =	ssyncadd.s32 $0xFFFFFC80  }
0x58: {  	_ =	swait.ge [sflag:s20], $0x380  }
0x59: {  	[sflag:s20] =	ssyncset.done $0x0  }
0x5a: {  	[sflag:s20] =	ssyncadd.s32 $0xFFFFFC80  }
0x5b: {  	[tilespmem:s14], [sflag:$0x2] =	stream.linear.gather [hbm4b:s8+s3], $0x380, $0x38;
	[tilespmem:$0x3C80] =	vst v63  }
0x5c: {  	_ = 	snop  }
0x5d: {  	[spmem:s2] =	stream.indirect.scatter.add.f32 [tilespmem:s16], [sflag:$0x3], $0x1, s13, s15, $0xb8;
	[tilespmem:$0x3C80] =	vst v63  }
0x5e: {  	_ =	swait.ge [sflag:s17], $0x380  }
0x5f: {  	[sflag:s17] =	ssyncset.done $0x0  }
0x60: {  	[sflag:s17] =	ssyncadd.s32 $0xFFFFFC80  }
0x61: {  	[spmem:s2] =	stream.indirect.scatter.add.f32 [tilespmem:s16], [sflag:$0x4], $0x1, s14, s15, $0xb8;
	[tilespmem:$0x3C80] =	vst v63  }
0x62: {  	_ =	swait.ge [sflag:s18], $0x380  }
0x63: {  	[sflag:s18] =	ssyncset.done $0x0  }
0x64: {  	[sflag:s18] =	ssyncadd.s32 $0xFFFFFC80  }
0x65: {  	[tilespmem:s13], [sflag:$0x1] =	stream.linear.gather [hbm4b:s5+s3], $0x380, $0x38;
	[tilespmem:$0x3C80] =	vst v63  }
0x66: {  	_ =	swait.ge [sflag:s19], $0x380  }
0x67: {  	[sflag:s19] =	ssyncset.done $0x0  }
0x68: {  	[sflag:s19] =	ssyncadd.s32 $0xFFFFFC80  }
0x69: {  	_ =	swait.ge [sflag:s20], $0x380  }
0x6a: {  	s30 =	sshll.u32 s1, $0x6;
	s21 =	sadd.s32 $0x1, s21;
	[sflag:s20] =	ssyncset.done $0x0  }
0x6b: {  	s31 =	sshrl.u32 s4, $0x3;
	p0 =	sne.s32 s21, s7;
	[sflag:s20] =	ssyncadd.s32 $0xFFFFFC80  }
.Ltmp3:
0x6c: {  	s22 =	sor.u32 $0x1C05, s30;
	[bflag:$0x0] =	sbarrier.arrive $0xFFFF;
	(pc) =	sbr.rel @p0 .LBB2_1-.Ltmp3, $4  }
0x6d: {  	[hbm:s6], [sflag:s22] =	dma.local [spmem:s31], $0x320  }
0x6e: {  	_ =	swait.ge [sflag:s12], $0x320  }
0x6f: {  	[sflag:s12] =	ssyncset.done $0x0  }
0x70: {  	[sflag:s12] =	ssyncadd.s32 $0xFFFFFCE0  }
0x71: {  	_ =	sfence.sel $0x180000  }
0x72: {  	[bflag:$0x0] =	sbarrier.arrive $0xFFFF  }
0x73: {  	p0 =	sne.s32 s1, $0x0;
	_ =	strace $0x90000047  }
0x74: {  	s0 =	sadd.s32 @!p0 $0x100000, s0;
	[bflag:$0x2] =	sbarrier.arrive $0xFFFF  }
0x75: {  	[sflag:s0] =	ssyncadd.tile.s32 @!p0 $0x1;
	_ =	shalt  }
.Lfunc_end2:
_tile_overlayer_lowered:
.L_overlay_start_2:
0x76: {  	(tag) =	ssettag $0x2  }
0x77: {  	s0 =	rddreg [dreg:$0x0];
	s2 =	stileid.u32  }
0x78: {  	s1 =	rddreg [dreg:$0x1];
	p0 =	sne.s32 s2, $0x0  }
0x79: {  	s3 =	rddreg [dreg:$0x2];
	[bflag:$0x3] =	sbarrier.arrive $0xFFFF;
	s2 =	simm.s32 @!p0 $0x1C01  }
0x7a: {  	[timem:s3], [sflag:s2] =	dma.local @!p0 [hbm:s0], s1  }
0x7b: {  	s0 =	simm.s32 @!p0 $0x1  }
0x7c: {  	_ =	swait.ge @!p0 [sflag:s0], s1  }
0x7d: {  	s1 =	ssub.s32 @!p0 $0x0, s1;
	[sflag:s0] =	ssyncset.done @!p0 $0x0  }
0x7e: {  	[sflag:s0] =	ssyncadd.s32 @!p0 s1  }
0x7f: {  	[bflag:$0x3] =	sbarrier.arrive $0xFFFF  }
0x80: {  	_ =	shalt  }

// kernel: kernel.9.cloned.1.call-start
scs
__scs_entry_jumppad:
0x0: {  	(pc) =	sbr.rel $0x88, $3  }
0x1: {  	(tag) =	ssettag $0x0;
	lr =	simm.s32 $0x1  }
0x2: {  	[smem:$0x3F9B] =	sst lr;
	_ =	strace $0xD0000000  }
0x3: {  	_ = 	snop  }
0x4: {  	_ = 	snop  }
0x5: {  	_ = 	snop  }
0x6: {  	_ = 	snop  }
0x7: {  	_ = 	snop  }
__scs_overlays_trampoline_lowered:
0x8: {  	[smem:$0x3FAA] =	sst s0  }
0x9: {  	[smem:$0x3FAB] =	sst s1  }
0xa: {  	[smem:$0x3FAC] =	sst s2  }
0xb: {  	[smem:$0x3FAD] =	sst s3  }
0xc: {  	[smem:$0x3FAE] =	sst s4  }
0xd: {  	[smem:$0x3FAF] =	sst s5  }
0xe: {  	[smem:$0x3FB0] =	sst s6  }
0xf: {  	[smem:$0x3FB1] =	sst s7  }
0x10: {  	[smem:$0x3FB2] =	sst s8  }
0x11: {  	[smem:$0x3FB3] =	sst s9;
	s0 =	simm.s32 @!p0 $0x0  }
0x12: {  	s1 =	sld [smem:$0x3F99];
	s0 =	simm.s32 @p0 $0x1  }
0x13: {  	[smem:$0x3FB4] =	sst s0;
	s0 =	simm.s32 @!p1 $0x0  }
0x14: {  	s2 =	sld [smem:$0x3F98];
	s0 =	simm.s32 @p1 $0x1  }
0x15: {  	[smem:$0x3FB5] =	sst s0;
	s0 =	simm.s32 @!p2 $0x0  }
0x16: {  	s3 =	sld [smem:$0x3FDB];
	s0 =	simm.s32 @p2 $0x1  }
0x17: {  	s4 =	simm.s32 $0x1BF5;
	[smem:$0x3FB7] =	sst s0  }
0x18: {  	s0 =	sld [smem:$0x3F9A];
	_ =	swait.ge [sflag:s4], $0x0  }
0x19: {  	s7 =	sld [smem:$0x3F9B]  }
0x1a: {  	s8 =	sadd.s32 $0xFFFFE003, lr  }
0x1b: {  	s9 =	sadd.s32 $0xFFFFFEF7, lr;
	s5 =	simm.s32 $0xFFFFFFFF;
	p2 =	slt.u32 s8, $0xFFFFF086  }
0x1c: {  	p1 =	slt.u32 s9, $0xF7A;
	s5 =	simm.s32 @!p2 $0x0  }
0x1d: {  	s5 =	simm.s32 @p1 $0x1;
	p0 =	seq.s32 s7, s2  }
0x1e: {  	s7 =	smul.u32 @!p0 $0xF7A, s2;
	p2 =	seq.s32 @!p0 s5, $0x0  }
0x1f: {  	s9 =	smul.u32 $0xF7A, s1;
	s8 =	simm.s32 @!p0 $0x1BF5;
	p2 =	por !p2, p0  }
0x20: {  	[sflag:s8] =	ssyncset.s32 @!p0 $0xFFFFF086;
	s6 =	sadd.s32 @!p0 s3, s7;
	s7 =	simm.s32 @!p0 $0x108  }
0x21: {  	s3 =	sadd.s32 s3, s9;
	s6 =	sadd.s32 @!p0 $0x88, s6;
	s7 =	simm.s32 @p2 $0x1082  }
0x22: {  	[simem:s7], [sflag:s8] =	dma.local @!p0 [hbm:s6], $0xF7A  }
0x23: {  	s9 =	sor.u32 $0xD0000000, s2;
	s6 =	simm.s32 $0x108;
	_ =	swait.ge @!p0 [sflag:s8], $0x0  }
0x24: {  	s3 =	sadd.s32 $0x88, s3;
	s6 =	simm.s32 @!p1 $0x1082;
	[sflag:s4] =	ssyncset.s32 $0xFFFFF086  }
0x25: {  	[simem:s6], [sflag:s4] =	dma.local [hbm:s3], $0xF7A  }
0x26: {  	[smem:$0x3F9B] =	sst s1;
	(tag) =	ssettag s2;
	_ =	strace s9  }
0x27: {  	s1 =	sld [smem:$0x3FAB]  }
0x28: {  	s2 =	sld [smem:$0x3FAC]  }
0x29: {  	s4 =	sld [smem:$0x3FAE]  }
0x2a: {  	p0 =	seq.s32 s5, $0x0;
	s5 =	sld [smem:$0x3FAF]  }
0x2b: {  	s6 =	sld [smem:$0x3FB0]  }
0x2c: {  	s7 =	sld [smem:$0x3FB1]  }
0x2d: {  	s3 =	simm.s32 $0x108;
	s8 =	sld [smem:$0x3FB2]  }
0x2e: {  	s3 =	simm.s32 @!p0 $0x1082;
	s9 =	sld [smem:$0x3FB3]  }
0x2f: {  	lr =	sadd.s32 s0, s3;
	s0 =	sld [smem:$0x3FAA]  }
0x30: {  	s3 =	sld [smem:$0x3FAD]  }
0x31: {  	[smem:$0x3FB6] =	sst s10  }
0x32: {  	s10 =	sld [smem:$0x3FB4];
	_ =	sdelay $0x3  }
0x33: {  	p0 =	seq.s32 s10, $0x1;
	s10 =	sld [smem:$0x3FB6];
	_ =	sdelay $0x3  }
0x34: {  	[smem:$0x3FB6] =	sst s10  }
0x35: {  	s10 =	sld [smem:$0x3FB5];
	_ =	sdelay $0x3  }
0x36: {  	p1 =	seq.s32 s10, $0x1;
	s10 =	sld [smem:$0x3FB6];
	_ =	sdelay $0x3  }
0x37: {  	[smem:$0x3FB6] =	sst s10  }
0x38: {  	s10 =	sld [smem:$0x3FB7]  }
0x39: {  	_ = 	snop;
	(pc) =	sbr.ind lr, $3  }
0x3a: {  	_ = 	snop  }
0x3b: {  	_ = 	snop  }
0x3c: {  	p2 =	seq.s32 s10, $0x1;
	s10 =	sld [smem:$0x3FB6]  }
0x3d: {  	_ =	shalt  }
0x3e: {  	_ =	shalt  }
0x3f: {  	_ =	shalt  }
0x40: {  	_ =	shalt  }
0x41: {  	_ =	shalt  }
0x42: {  	_ =	shalt  }
0x43: {  	_ =	shalt  }
0x44: {  	_ =	shalt  }
0x45: {  	_ =	shalt  }
0x46: {  	_ =	shalt  }
0x47: {  	_ =	shalt  }
0x48: {  	_ =	shalt  }
0x49: {  	_ =	shalt  }
0x4a: {  	_ =	shalt  }
0x4b: {  	_ =	shalt  }
0x4c: {  	_ =	shalt  }
0x4d: {  	_ =	shalt  }
0x4e: {  	_ =	shalt  }
0x4f: {  	_ =	shalt  }
0x50: {  	_ =	shalt  }
0x51: {  	_ =	shalt  }
0x52: {  	_ =	shalt  }
0x53: {  	_ =	shalt  }
0x54: {  	_ =	shalt  }
0x55: {  	_ =	shalt  }
0x56: {  	_ =	shalt  }
0x57: {  	_ =	shalt  }
0x58: {  	_ =	shalt  }
0x59: {  	_ =	shalt  }
0x5a: {  	_ =	shalt  }
0x5b: {  	_ =	shalt  }
0x5c: {  	_ =	shalt  }
0x5d: {  	_ =	shalt  }
0x5e: {  	_ =	shalt  }
0x5f: {  	_ =	shalt  }
0x60: {  	_ =	shalt  }
0x61: {  	_ =	shalt  }
0x62: {  	_ =	shalt  }
0x63: {  	_ =	shalt  }
0x64: {  	_ =	shalt  }
0x65: {  	_ =	shalt  }
0x66: {  	_ =	shalt  }
0x67: {  	_ =	shalt  }
0x68: {  	_ =	shalt  }
0x69: {  	_ =	shalt  }
0x6a: {  	_ =	shalt  }
0x6b: {  	_ =	shalt  }
0x6c: {  	_ =	shalt  }
0x6d: {  	_ =	shalt  }
0x6e: {  	_ =	shalt  }
0x6f: {  	_ =	shalt  }
0x70: {  	_ =	shalt  }
0x71: {  	_ =	shalt  }
0x72: {  	_ =	shalt  }
0x73: {  	_ =	shalt  }
0x74: {  	_ =	shalt  }
0x75: {  	_ =	shalt  }
0x76: {  	_ =	shalt  }
0x77: {  	_ =	shalt  }
0x78: {  	_ =	shalt  }
0x79: {  	_ =	shalt  }
0x7a: {  	_ =	shalt  }
0x7b: {  	_ =	shalt  }
0x7c: {  	_ =	shalt  }
0x7d: {  	_ =	shalt  }
0x7e: {  	_ =	shalt  }
0x7f: {  	_ =	shalt  }
0x80: {  	_ =	shalt  }
0x81: {  	_ =	shalt  }
0x82: {  	_ =	shalt  }
0x83: {  	_ =	shalt  }
0x84: {  	_ =	shalt  }
0x85: {  	_ =	shalt  }
0x86: {  	_ =	shalt  }
0x87: {  	_ =	shalt  }
.Lfunc_end0:
.L_simem_size_0:
called_computation.2_lowered:
.L_overlay_start_0:
0x88: {  	s2 =	sld [smem:$0x3FD9]  }
0x89: {  	s3 =	sld [smem:$0x3FFE];
	_ =	sdelay $0x1  }
0x8a: {  	s1 =	srdreg.scid  }
0x8b: {  	s0 =	sand.u32 $0x1, s1  }
0x8c: {  	s14 =	sshll.u32 s0, $0xA;
	s2 =	sadd.s32 s3, s2  }
0x8d: {  	s2 =	sadd.s32 s2, s14  }
0x8e: {  	[smem:$0x3FC2] =	sst s2  }
0x8f: {  	_ = 	snop  }
0x90: {  	s2 =	sld [smem:$0x3FD0];
	_ =	sdelay $0x2  }
0x91: {  	s15 =	simm.s32 $0xA;
	s4 =	simm.s32 $0x10  }
0x92: {  	[smem:s4], [sflag:s15] =	dma.local [hbm:s2], $0x1  }
0x93: {  	_ =	swait.eq [sflag:s15], $0x1  }
0x94: {  	[sflag:s15] =	ssyncset.done $0x0  }
0x95: {  	s16 =	sld [smem:$0x10];
	[sflag:s15] =	ssyncadd.s32 $0xFFFFFFFF  }
0x96: {  	s17 =	sld [smem:$0x11];
	(tm) =	ssettm $0x1  }
0x97: {  	s18 =	sld [smem:$0x3FFB];
	_ =	sdelay $0x3  }
0x98: {  	_ =	strace s18  }
0x99: {  	s4 =	sld [smem:$0x3FFC];
	_ =	sdelay $0x3  }
0x9a: {  	_ =	strace s4  }
0x9b: {  	s4 =	sld [smem:$0x3FFD];
	_ =	sdelay $0x3  }
0x9c: {  	_ =	strace s4  }
0x9d: {  	_ =	strace $0x8FFFFFFF  }
0x9e: {  	s19 =	sld [smem:$0x3FDB];
	_ =	sdelay $0x1  }
0x9f: {  	s5 =	simm.s32 $_scs_section_size  }
0xa0: {  	s6 =	simm.s32 $_size__tile_overlayer_lowered;
	s7 =	simm.s32 $_tile_overlayer_lowered  }
0xa1: {  	s22 =	simm.s32 $0x1BFF;
	s21 =	sshll.u32 s7, $0x1;
	s4 =	sadd.s32 s5, s19  }
0xa2: {  	s8 =	simm.s32 $0x0;
	s20 =	sshll.u32 s6, $0x1;
	s6 =	sadd.s32 s21, s4  }
0xa3: {  	[timem:s8], [sflag:s22] =	dma.local [hbm:s6], s20  }
0xa4: {  	_ =	swait.ge [sflag:s22], s20  }
0xa5: {  	s5 =	ssub.s32 $0x0, s20;
	[sflag:s22] =	ssyncset.done $0x0  }
0xa6: {  	[sflag:s22] =	ssyncadd.s32 s5;
	_ =	sdelay $0x1  }
0xa7: {  	s23 =	simm.s32 $0x1B8B  }
0xa8: {  	_ =	swait.ge [sflag:s23], $0x1  }
0xa9: {  	[sflag:s23] =	ssyncset.done $0x0  }
0xaa: {  	s25 =	simm.s32 $0x1B8E;
	s24 =	sld [smem:$0x3FFE];
	[sflag:s23] =	ssyncadd.s32 $0xFFFFFFFF  }
0xab: {  	s26 =	simm.s32 $execute0_lowered;
	[smem:$0x3FD2] =	sst s25  }
0xac: {  	s6 =	sshll.u32 s26, $0x1;
	_ =	strace $0x80000049;
	[dreg:$0x1] =	wrdreg $0xFFFFFFFF  }
0xad: {  	s28 =	simm.s32 $_size_execute0_lowered;
	s4 =	sadd.s32 s4, s6;
	[dreg:$0x0] =	wrdreg $0x0  }
0xae: {  	s6 =	sshll.u32 s28, $0x1;
	[dreg:$0x2] =	wrdreg s4  }
0xaf: {  	[dreg:$0x3] =	wrdreg s6  }
0xb0: {  	[dreg:$0x4] =	wrdreg $0xC0  }
0xb1: {  	_ =	task [dreg:s8], $0x5FFFF  }
0xb2: {  	[dreg:$0x1] =	wrdreg $0xFFFFFFFF  }
0xb3: {  	[dreg:$0x0] =	wrdreg $0x60  }
0xb4: {  	[dreg:$0x2] =	wrdreg s16  }
0xb5: {  	[dreg:$0x3] =	wrdreg s24  }
0xb6: {  	[dreg:$0x4] =	wrdreg s17  }
0xb7: {  	[dreg:$0x5] =	wrdreg $0x0  }
0xb8: {  	[dreg:$0x6] =	wrdreg $0xC8000  }
0xb9: {  	[dreg:$0x7] =	wrdreg $0x9  }
0xba: {  	_ =	task.clear_ibuf [dreg:s8], $0x8FFFF;
	_ =	strace $0x90000049  }
0xbb: {  	s29 =	simm.s32 $0x9;
	_ =	strace $0x8000004B  }
0xbc: {  	_ =	swait.ge [sflag:s29], $0x1  }
0xbd: {  	[sflag:s29] =	ssyncadd.s32 $0xFFFFFFFF  }
0xbe: {  	_ =	strace $0x9000004B  }
0xbf: {  	_ =	sfence  }
0xc0: {  	s30 =	sld [smem:$0x0];
	_ =	sdelay $0x2  }
0xc1: {  	s31 =	sshll.u32 s1, $0xD;
	s1 =	sshrl.u32 s1, $0x2  }
0xc2: {  	s3 =	sand.u32 $0x4000, s31;
	s1 =	sadd.s32 s1, s30  }
0xc3: {  	s0 =	sor.u32 s3, s0;
	s1 =	sshll.u32 s1, $0x11  }
0xc4: {  	s0 =	sor.u32 s1, s0  }
0xc5: {  	s0 =	sadd.s32 $0x8F2B, s0  }
0xc6: {  	[sflag:s0] =	ssyncadd.remote.s32 $0x1  }
0xc7: {  	_ =	sfence.sel $0xFFFF  }
0xc8: {  	[dreg:$0x0] =	wrdreg $0xFFFFFFFF;
	(pc) =	sbr.abs _section_cstart, $3  }
0xc9: {  	[dreg:$0x1] =	wrdreg $0xFFFFFFFF  }
0xca: {  	_ =	task.clear_ibuf [dreg:s8], $0x2FFFF;
	_ =	strace $0x9FFFFFFF  }
0xcb: {  	(tm) =	ssettm $0x7FFFFFFF  }
tec
execute0_lowered:
.L_overlay_start_1:
0x0: {  	(tag) =	ssettag $0x1  }
0x1: {  	s0 =	rddreg [dreg:$0x0]  }
0x2: {  	s1 =	rddreg [dreg:$0x1]  }
0x3: {  	s2 =	rddreg [dreg:$0x3]  }
0x4: {  	s3 =	rddreg [dreg:$0x4];
	s4 =	simm.s32 $0x0;
	s5 =	srdreg.scid  }
0x5: {  	s11 =	stileid.u32;
	s12 =	simm.s32 $0x7;
	s28 =	simm.s32 $0x4  }
0x6: {  	s29 =	simm.s32 $0x1A130;
	s30 =	simm.s32 $0x1A4B0;
	s31 =	simm.s32 $0x1AF30  }
0x7: {  	[smem:$0x7FF] =	sst s4;
	s5 =	sand.u32 $0x1, s5;
	s9 =	smul.u32 $0x1900, s11  }
0x8: {  	s8 =	sadd.s32 $0x1800, s1;
	s17 =	sadd.s32 $0xC5800, s1;
	s20 =	smul.u32 $0x31000, s11  }
0x9: {  	_ =	strace $0x8000004A;
	s6 =	smul.u32 $0x19000, s5;
	s7 =	sshll.u32 s5, $0x4  }
0xa: {  	[dreg:$0x7] =	wrdreg s17;
	s18 =	ssub.s32 $0x2, s5;
	s10 =	smul.u32 $0x310000, s5  }
0xb: {  	p0 =	seq.s32 s5, $0x0;
	s5 =	simm.s32 $0x3;
	s7 =	sor.u32 s11, s7  }
0xc: {  	[dreg:$0x6] =	wrdreg s9;
	s19 =	sshrl.u32 s18, $0x1;
	s9 =	simm.s32 $0x5  }
0xd: {  	s7 =	smul.u32 $0x31000, s7;
	s1 =	sadd.s32 s6, s1;
	s6 =	ssub.s32 s18, s19  }
0xe: {  	s24 =	sadd.s32 s20, s10;
	s10 =	simm.s32 $0x1;
	s1 =	sadd.s32 $0xCBC00, s1  }
0xf: {  	s25 =	sor.u32 $0xA80, s24;
	s6 =	smax.u32 s6, $0x1;
	[dreg:$0xc] =	wrdreg s1  }
0x10: {  	s7 =	sshrl.u32 s7, $0x3;
	[dreg:$0xd] =	wrdreg s6;
	s1 =	sshrl.u32 s25, $0x3  }
0x11: {  	s25 =	simm.s32 $0x380;
	s6 =	simm.s32 $0x0;
	s21 =	sadd.s32 s0, s7  }
0x12: {  	s22 =	sadd.s32 s8, s7;
	s7 =	sor.u32 $0x70, s7;
	[dreg:$0x8] =	wrdreg s21  }
0x13: {  	s14 =	sadd.s32 s1, s8;
	s15 =	sadd.s32 s1, s0;
	[dreg:$0x9] =	wrdreg s22  }
0x14: {  	s23 =	sadd.s32 s0, s7;
	s7 =	sadd.s32 s8, s7;
	s21 =	simm.s32 $0x19000  }
0x15: {  	v1 =	vlaneseq.u32;
	s22 =	simm.s32 $0x19C80;
	[dreg:$0xb] =	wrdreg s7;
	s7 =	sor.u32 $0x700, s24  }
0x16: {  	v0 =	vshrl.u32 v1, $0x3;
	[dreg:$0xa] =	wrdreg s23;
	s23 =	simm.s32 $0x1A830;
	s26 =	sshrl.u32 s7, $0x3  }
0x17: {  	v2 =	vmul.u32 $0x8, v0;
	s24 =	simm.s32 $0x1ABB0;
	s16 =	sadd.s32 s26, s8;
	s17 =	sadd.s32 s26, s0  }
0x18: {  	v3 =	vimm.f32 $0.0e+00;
	v1 =	vand.u32 $0x7, v1;
	s26 =	simm.s32 $0x1CB30;
	s0 =	simm.s32 $0x6;
	s8 =	simm.s32 $0x2  }
.LBB2_1:
.Ltmp0:
0x19: {  	(pc) =	sbr.rel .LBB2_2-.Ltmp0, $2  }
0x1a: {  	_ =	sdelay $0x2  }
0x1b: {  	[dreg:$0xe] =	wrdreg s6;
	s1 =	simm.s32 $0x0  }
.LBB2_10:
0x1c: {  	s1 =	sadd.s32 s1, s3  }
0x1d: {  	[spmem:s1] =	stream.linear.scatter [tilespmem:s21], [sflag:$0x7], $0xC80, $0x38;
	[tilespmem:$0x1E730] =	vst v63  }
0x1e: {  	_ =	swait.ge [sflag:s12], $0xC80  }
0x1f: {  	s20 =	rddreg [dreg:$0xf]  }
0x20: {  	s1 =	sadd.s32 $0x1, s20  }
0x21: {  	p1 =	sne.s32 s1, $0x10  }
.Ltmp1:
0x22: {  	_ = 	snop;
	(pc) =	sbr.rel @!p1 .LBB2_11-.Ltmp1, $3  }
0x23: {  	_ =	sdelay $0x1  }
0x24: {  	[sflag:s12] =	ssyncset.done $0x0  }
0x25: {  	[sflag:s12] =	ssyncadd.s32 $0xFFFFF380  }
.LBB2_2:
0x26: {  	[dreg:$0xf] =	wrdreg s1;
	s13 =	smul.u32 $0x190, s1  }
0x27: {  	s6 =	rddreg [dreg:$0x6]  }
0x28: {  	s18 =	rddreg [dreg:$0x7];
	s1 =	sadd.s32 s6, s13  }
0x29: {  	[dreg:$0x12] =	wrdreg s1;
	s1 =	sshrl.u32 s1, $0x3  }
0x2a: {  	s19 =	simm.s32 $0x0;
	s7 =	simm.s32 $0x19E10;
	s1 =	sadd.s32 s18, s1  }
0x2b: {  	[tilespmem:s7], [sflag:$0x7] =	stream.linear.gather [hbm4b:s1+s19], $0x190, $0x38;
	[tilespmem:$0x1E730] =	vst v63  }
0x2c: {  	_ =	swait.ge [sflag:s12], $0x190  }
0x2d: {  	[sflag:s12] =	ssyncset.done $0x0  }
0x2e: {  	s20 =	simm.s32 $0x19FA0;
	s1 =	sadd.s32 $0x3200, s1;
	[sflag:s12] =	ssyncadd.s32 $0xFFFFFE70  }
0x2f: {  	[tilespmem:s20], [sflag:$0x7] =	stream.linear.gather [hbm4b:s1+s19], $0x190, $0x38;
	[tilespmem:$0x1E730] =	vst v63  }
0x30: {  	_ =	swait.ge [sflag:s12], $0x190  }
0x31: {  	[sflag:s12] =	ssyncset.done $0x0  }
0x32: {  	[sflag:s12] =	ssyncadd.s32 $0xFFFFFE70;
	s12 =	simm.s32 $0x0  }
0x33: {  	v4 =	vld [tilespmem:s12+$0x19FA0]  }
0x34: {  	v5 =	vld [tilespmem:s12+$0x19E10];
	_ =	sdelay $0x2  }
0x35: {  	s11 =	simm.s32 $0x10  }
0x36: {  	v6 =	vld [tilespmem:s11+$0x19FA0]  }
0x37: {  	v4 =	vadd.f32 v4, v5;
	v5 =	vld [tilespmem:s11+$0x19E10];
	_ =	sdelay $0x1  }
0x38: {  	v4 =	vadd.f32 $1.000000000e+00, v4;
	_ =	sdelay $0x1  }
0x39: {  	s18 =	simm.s32 $0x20;
	v7 =	vshrl.u32 v4, $0x1;
	v8 =	vmul.f32 $5.000000000e-01, v4  }
0x3a: {  	v9 =	vld [tilespmem:s18+$0x19E10];
	v4 =	vsub.s32 $0x5F3759DF, v7;
	v5 =	vadd.f32 v6, v5  }
0x3b: {  	v7 =	vld [tilespmem:s18+$0x19FA0];
	v6 =	vmul.f32 v4, v8  }
0x3c: {  	v5 =	vadd.f32 $1.000000000e+00, v5  }
0x3d: {  	v6 =	vmul.f32 v4, v6  }
0x3e: {  	s20 =	simm.s32 $0x30;
	v10 =	vshrl.u32 v5, $0x1;
	v12 =	vmul.f32 $5.000000000e-01, v5  }
0x3f: {  	v11 =	vld [tilespmem:s20+$0x19E10];
	v5 =	vsub.f32 $1.500000000e+00, v6;
	v6 =	vsub.s32 $0x5F3759DF, v10  }
0x40: {  	v10 =	vld [tilespmem:s20+$0x19FA0];
	v7 =	vadd.f32 v7, v9;
	v9 =	vmul.f32 v6, v12  }
0x41: {  	s6 =	simm.s32 $0x40;
	v5 =	vmul.f32 v4, v5  }
0x42: {  	v14 =	vld [tilespmem:s6+$0x19FA0];
	v4 =	vadd.f32 $1.000000000e+00, v7;
	v7 =	vmul.f32 v6, v9  }
0x43: {  	v15 =	vld [tilespmem:s6+$0x19E10];
	v9 =	vmul.f32 v5, v8  }
0x44: {  	v13 =	vshrl.u32 v4, $0x1;
	v4 =	vmul.f32 $5.000000000e-01, v4;
	v7 =	vsub.f32 $1.500000000e+00, v7  }
0x45: {  	v13 =	vsub.s32 $0x5F3759DF, v13;
	v10 =	vadd.f32 v10, v11;
	v9 =	vmul.f32 v9, v5  }
0x46: {  	v11 =	vmul.f32 v13, v4;
	v6 =	vmul.f32 v6, v7  }
0x47: {  	v7 =	vsub.f32 $1.500000000e+00, v9;
	v9 =	vadd.f32 $1.000000000e+00, v10  }
0x48: {  	v14 =	vadd.f32 v14, v15;
	v10 =	vmul.f32 v13, v11;
	v11 =	vmul.f32 v6, v12  }
0x49: {  	v7 =	vmul.f32 v7, v5;
	v16 =	vshrl.u32 v9, $0x1;
	v5 =	vmul.f32 $5.000000000e-01, v9  }
0x4a: {  	s7 =	simm.s32 $0x50;
	v10 =	vsub.f32 $1.500000000e+00, v10;
	v9 =	vsub.s32 $0x5F3759DF, v16;
	v11 =	vmul.f32 v11, v6  }
0x4b: {  	v17 =	vld [tilespmem:s7+$0x19E10];
	v16 =	vmul.f32 v7, v8;
	v15 =	vmul.f32 v9, v5  }
0x4c: {  	v14 =	vadd.f32 $1.000000000e+00, v14;
	v8 =	vmul.f32 v13, v10;
	v13 =	vld [tilespmem:s7+$0x19FA0];
	v10 =	vsub.f32 $1.500000000e+00, v11  }
0x4d: {  	v11 =	vmul.f32 v16, v7;
	v15 =	vmul.f32 v9, v15  }
0x4e: {  	v19 =	vshrl.u32 v14, $0x1;
	v18 =	vmul.f32 v8, v4;
	v6 =	vmul.f32 v10, v6  }
0x4f: {  	v10 =	vmul.f32 $5.000000000e-01, v14;
	v11 =	vsub.f32 $1.500000000e+00, v11;
	v16 =	vsub.f32 $1.500000000e+00, v15  }
0x50: {  	s1 =	simm.s32 $0x60;
	s19 =	simm.s32 $0x1C0;
	v15 =	vsub.s32 $0x5F3759DF, v19;
	v14 =	vmul.f32 v18, v8;
	v12 =	vmul.f32 v6, v12  }
.LBB2_3:
0x51: {  	s13 =	sshra.s32 s19, $0x2;
	p1 =	sne.s32 s19, $0x600;
	s19 =	sadd.s32 $0x40, s19;
	v18 =	vadd.f32 v13, v17;
	v13 =	vld [tilespmem:s1+$0x19FA0];
	v19 =	vmul.f32 v15, v10;
	v16 =	vmul.f32 v9, v16;
	v20 =	vmovc v10  }
.Ltmp2:
0x52: {  	v9 =	vmovc v15;
	v17 =	vld [tilespmem:s1+$0x19E10];
	v10 =	vsub.f32 $1.500000000e+00, v14;
	v12 =	vmul.f32 v12, v6;
	v14 =	vmul.f32 v11, v7;
	v7 =	vmovc v6;
	(pc) =	sbr.rel @p1 .LBB2_3-.Ltmp2, $4  }
0x53: {  	v15 =	vadd.f32 $1.000000000e+00, v18;
	v18 =	vmul.f32 v9, v19;
	v19 =	vmul.f32 v16, v5  }
0x54: {  	v6 =	vmul.f32 v10, v8;
	v11 =	vsub.f32 $1.500000000e+00, v12;
	[tilespmem:s12+$0x19C80] =	vst v14;
	v8 =	vmov v16;
	s12 =	smov.u32 s11;
	s11 =	smov.u32 s18;
	s18 =	smov.u32 s20  }
0x55: {  	s20 =	smov.u32 s6;
	s6 =	smov.u32 s7;
	s7 =	smov.u32 s1;
	v12 =	vshrl.u32 v15, $0x1;
	v10 =	vmul.f32 $5.000000000e-01, v15;
	v16 =	vsub.f32 $1.500000000e+00, v18  }
0x56: {  	s1 =	smov.u32 s13;
	v14 =	vmul.f32 v19, v8;
	v15 =	vsub.s32 $0x5F3759DF, v12;
	v12 =	vmul.f32 v6, v4;
	v4 =	vmovc v5;
	v5 =	vmovc v20  }
0x57: {  	v18 =	vld [tilespmem:s1+$0x19FA0]  }
0x58: {  	v19 =	vld [tilespmem:s1+$0x19E10];
	_ =	sdelay $0x3  }
0x59: {  	v13 =	vadd.f32 v13, v17  }
0x5a: {  	v50 =	vadd.f32 v18, v19  }
0x5b: {  	v13 =	vadd.f32 $1.000000000e+00, v13  }
0x5c: {  	v17 =	vadd.f32 $1.000000000e+00, v50  }
0x5d: {  	v51 =	vmul.f32 v15, v10;
	v52 =	vshrl.u32 v13, $0x1;
	v13 =	vmul.f32 $5.000000000e-01, v13  }
0x5e: {  	v19 =	vsub.s32 $0x5F3759DF, v52;
	v20 =	vshrl.u32 v17, $0x1;
	v17 =	vmul.f32 $5.000000000e-01, v17  }
0x5f: {  	v21 =	vmul.f32 v19, v13;
	v20 =	vsub.s32 $0x5F3759DF, v20  }
0x60: {  	v18 =	vmul.f32 v15, v51;
	v22 =	vmul.f32 v20, v17  }
0x61: {  	v21 =	vmul.f32 v19, v21  }
0x62: {  	v9 =	vmul.f32 v9, v16;
	v18 =	vsub.f32 $1.500000000e+00, v18;
	v53 =	vmul.f32 v20, v22  }
0x63: {  	v7 =	vmul.f32 v11, v7;
	v14 =	vsub.f32 $1.500000000e+00, v14;
	v55 =	vsub.f32 $1.500000000e+00, v21  }
0x64: {  	v56 =	vmul.f32 v9, v5;
	v54 =	vmul.f32 v15, v18;
	v16 =	vsub.f32 $1.500000000e+00, v53  }
0x65: {  	v8 =	vmul.f32 v14, v8;
	v18 =	vmul.f32 v19, v55  }
0x66: {  	v57 =	vmul.f32 v54, v10;
	v16 =	vmul.f32 v20, v16  }
0x67: {  	v11 =	vmul.f32 v56, v9;
	v58 =	vmul.f32 v18, v13  }
0x68: {  	v19 =	vmul.f32 v57, v54;
	v59 =	vmul.f32 v16, v17  }
0x69: {  	v11 =	vsub.f32 $1.500000000e+00, v11;
	v20 =	vmul.f32 v58, v18  }
0x6a: {  	v4 =	vmul.f32 v8, v4;
	v19 =	vsub.f32 $1.500000000e+00, v19;
	v14 =	vmul.f32 v59, v16  }
0x6b: {  	v12 =	vmul.f32 v12, v6;
	v9 =	vmul.f32 v11, v9;
	v61 =	vsub.f32 $1.500000000e+00, v20  }
0x6c: {  	v4 =	vmul.f32 v4, v8;
	v60 =	vmul.f32 v19, v54;
	v14 =	vsub.f32 $1.500000000e+00, v14  }
0x6d: {  	v5 =	vmul.f32 v9, v5;
	v15 =	vmul.f32 v61, v18  }
0x6e: {  	v62 =	vmul.f32 v60, v10;
	v14 =	vmul.f32 v14, v16  }
0x6f: {  	v12 =	vsub.f32 $1.500000000e+00, v12;
	v5 =	vmul.f32 v5, v9;
	v13 =	vmul.f32 v15, v13  }
0x70: {  	v4 =	vsub.f32 $1.500000000e+00, v4;
	v10 =	vmul.f32 v62, v60;
	v16 =	vmul.f32 v14, v17  }
0x71: {  	v6 =	vmul.f32 v12, v6;
	v5 =	vsub.f32 $1.500000000e+00, v5;
	v63 =	vmul.f32 v13, v15  }
0x72: {  	[tilespmem:s12+$0x19C80] =	vst v7;
	v4 =	vmul.f32 v4, v8;
	v7 =	vsub.f32 $1.500000000e+00, v10;
	v8 =	vmul.f32 v16, v14  }
0x73: {  	[tilespmem:s11+$0x19C80] =	vst v6;
	v5 =	vmul.f32 v5, v9;
	v6 =	vsub.f32 $1.500000000e+00, v63  }
0x74: {  	[tilespmem:s18+$0x19C80] =	vst v4;
	v4 =	vmul.f32 v7, v60;
	v7 =	vsub.f32 $1.500000000e+00, v8  }
0x75: {  	[tilespmem:s20+$0x19C80] =	vst v5;
	v5 =	vmul.f32 v6, v15  }
0x76: {  	s13 =	rddreg [dreg:$0x12];
	s20 =	simm.s32 $0x0;
	[tilespmem:s6+$0x19C80] =	vst v4;
	v4 =	vmul.f32 v7, v14  }
0x77: {  	[tilespmem:s7+$0x19C80] =	vst v5;
	v5 =	vor.u32 s20, v0;
	s7 =	rddreg [dreg:$0x2]  }
0x78: {  	s12 =	simm.s32 $0x7;
	[tilespmem:s1+$0x19C80] =	vst v4;
	s1 =	sadd.s32 s7, s13;
	v4 =	vshll.u32 v5, $0x3  }
0x79: {  	[tilespmem:s21], [sflag:$0x7] =	stream.linear.gather [hbm4b:s1+s4], $0xC80, $0x38;
	v4 =	vor.u32 v1, v4;
	[tilespmem:$0x1E730] =	vst v63  }
0x7a: {  	_ =	swait.ge [sflag:s12], $0xC80  }
0x7b: {  	[sflag:s12] =	ssyncset.done $0x0  }
0x7c: {  	[sflag:s12] =	ssyncadd.s32 $0xFFFFF380  }
0x7d: {  	v5 =	vld.idx.msk [tilespmem:v5+s22+$0x0], $0xffff  }
0x7e: {  	s11 =	simm.s32 $0x2;
	v6 =	vld.idx.msk [tilespmem:v4+s21+$0x0], $0xffff  }
0x7f: {  	v7 =	vor.u32 s11, v0  }
0x80: {  	v8 =	vshll.u32 v7, $0x3  }
0x81: {  	v8 =	vor.u32 v1, v8;
	_ =	sdelay $0x1  }
0x82: {  	v5 =	vmul.f32 v5, v6;
	_ =	sdelay $0x1  }
0x83: {  	[tilespmem:v4+s21+$0x0] =	vst.idx.msk $0xffff, v5;
	v4 =	vld.idx.msk [tilespmem:v7+s22+$0x0], $0xffff  }
0x84: {  	s18 =	simm.s32 $0x4;
	v5 =	vld.idx.msk [tilespmem:v8+s21+$0x0], $0xffff  }
0x85: {  	v6 =	vor.u32 s18, v0  }
0x86: {  	v7 =	vshll.u32 v6, $0x3  }
0x87: {  	v7 =	vor.u32 v1, v7;
	_ =	sdelay $0x1  }
0x88: {  	v4 =	vmul.f32 v4, v5;
	_ =	sdelay $0x1  }
0x89: {  	v5 =	vld.idx.msk [tilespmem:v6+s22+$0x0], $0xffff;
	[tilespmem:v8+s21+$0x0] =	vst.idx.msk $0xffff, v4  }
0x8a: {  	s19 =	simm.s32 $0x6;
	v6 =	vld.idx.msk [tilespmem:v7+s21+$0x0], $0xffff  }
0x8b: {  	v8 =	vor.u32 s19, v0  }
0x8c: {  	v4 =	vshll.u32 v8, $0x3  }
0x8d: {  	v4 =	vor.u32 v1, v4;
	_ =	sdelay $0x1  }
0x8e: {  	v5 =	vmul.f32 v5, v6;
	_ =	sdelay $0x1  }
0x8f: {  	[tilespmem:v7+s21+$0x0] =	vst.idx.msk $0xffff, v5;
	v7 =	vld.idx.msk [tilespmem:v8+s22+$0x0], $0xffff  }
0x90: {  	s20 =	simm.s32 $0x8;
	v8 =	vld.idx.msk [tilespmem:v4+s21+$0x0], $0xffff  }
0x91: {  	v6 =	vor.u32 s20, v0  }
0x92: {  	v5 =	vshll.u32 v6, $0x3  }
0x93: {  	v5 =	vor.u32 v1, v5;
	_ =	sdelay $0x1  }
0x94: {  	s6 =	simm.s32 $0x16;
	s1 =	simm.s32 $0xE;
	v7 =	vmul.f32 v7, v8  }
.LBB2_5:
0x95: {  	_ = 	snop  }
0x96: {  	p1 =	sne.s32 s6, $0x18E;
	v6 =	vld.idx.msk [tilespmem:v6+s22+$0x0], $0xffff;
	s7 =	smov.u32 s6;
	s6 =	sadd.s32 $0x8, s6;
	[tilespmem:v4+s21+$0x0] =	vst.idx.msk $0xffff, v7  }
0x97: {  	v4 =	vld.idx.msk [tilespmem:v5+s21+$0x0], $0xffff  }
0x98: {  	s11 =	sadd.s32 $0xFFFFFFFC, s1  }
0x99: {  	v7 =	vor.u32 s11, v0  }
0x9a: {  	v8 =	vshll.u32 v7, $0x3  }
0x9b: {  	v8 =	vor.u32 v1, v8;
	_ =	sdelay $0x1  }
0x9c: {  	v4 =	vmul.f32 v6, v4;
	_ =	sdelay $0x1  }
0x9d: {  	[tilespmem:v5+s21+$0x0] =	vst.idx.msk $0xffff, v4;
	v4 =	vld.idx.msk [tilespmem:v7+s22+$0x0], $0xffff  }
0x9e: {  	v5 =	vld.idx.msk [tilespmem:v8+s21+$0x0], $0xffff  }
0x9f: {  	s11 =	sadd.s32 $0xFFFFFFFE, s1  }
0xa0: {  	v6 =	vor.u32 s11, v0  }
0xa1: {  	v7 =	vshll.u32 v6, $0x3  }
0xa2: {  	v7 =	vor.u32 v1, v7;
	_ =	sdelay $0x1  }
0xa3: {  	v4 =	vmul.f32 v4, v5;
	_ =	sdelay $0x1  }
0xa4: {  	[tilespmem:v8+s21+$0x0] =	vst.idx.msk $0xffff, v4;
	v5 =	vld.idx.msk [tilespmem:v6+s22+$0x0], $0xffff  }
0xa5: {  	v6 =	vld.idx.msk [tilespmem:v7+s21+$0x0], $0xffff;
	_ =	sdelay $0x1  }
0xa6: {  	v8 =	vor.u32 s1, v0;
	s1 =	smov.u32 s7  }
0xa7: {  	v4 =	vshll.u32 v8, $0x3  }
0xa8: {  	v4 =	vor.u32 v1, v4;
	_ =	sdelay $0x1  }
0xa9: {  	v5 =	vmul.f32 v5, v6;
	_ =	sdelay $0x1  }
0xaa: {  	[tilespmem:v7+s21+$0x0] =	vst.idx.msk $0xffff, v5;
	v7 =	vld.idx.msk [tilespmem:v8+s22+$0x0], $0xffff  }
0xab: {  	v8 =	vld.idx.msk [tilespmem:v4+s21+$0x0], $0xffff  }
0xac: {  	s7 =	sadd.s32 $0xFFFFFFFA, s1  }
.Ltmp3:
0xad: {  	v6 =	vor.u32 s7, v0;
	(pc) =	sbr.rel @p1 .LBB2_5-.Ltmp3, $3  }
0xae: {  	v5 =	vshll.u32 v6, $0x3  }
0xaf: {  	v5 =	vor.u32 v1, v5;
	_ =	sdelay $0x1  }
0xb0: {  	v7 =	vmul.f32 v7, v8  }
0xb1: {  	_ =	sdelay $0x3  }
0xb2: {  	v6 =	vld.idx.msk [tilespmem:v6+s22+$0x0], $0xffff;
	[tilespmem:v4+s21+$0x0] =	vst.idx.msk $0xffff, v7  }
0xb3: {  	s6 =	sadd.s32 $0xFFFFFFFC, s1;
	v4 =	vld.idx.msk [tilespmem:v5+s21+$0x0], $0xffff  }
0xb4: {  	v59 =	vor.u32 s6, v0  }
0xb5: {  	v8 =	vshll.u32 v59, $0x3  }
0xb6: {  	v8 =	vor.u32 v1, v8;
	_ =	sdelay $0x1  }
0xb7: {  	v4 =	vmul.f32 v6, v4;
	_ =	sdelay $0x1  }
0xb8: {  	[tilespmem:v5+s21+$0x0] =	vst.idx.msk $0xffff, v4;
	v4 =	vld.idx.msk [tilespmem:v59+s22+$0x0], $0xffff  }
0xb9: {  	s19 =	sadd.s32 $0xFFFFFFFE, s1;
	v5 =	vld.idx.msk [tilespmem:v8+s21+$0x0], $0xffff  }
0xba: {  	v60 =	vor.u32 s19, v0  }
0xbb: {  	v61 =	vshll.u32 v60, $0x3  }
0xbc: {  	v7 =	vor.u32 v1, v61;
	_ =	sdelay $0x1  }
0xbd: {  	v4 =	vmul.f32 v4, v5;
	_ =	sdelay $0x1  }
0xbe: {  	[tilespmem:v8+s21+$0x0] =	vst.idx.msk $0xffff, v4;
	v4 =	vld.idx.msk [tilespmem:v60+s22+$0x0], $0xffff  }
0xbf: {  	v5 =	vld.idx.msk [tilespmem:v7+s21+$0x0], $0xffff  }
0xc0: {  	v62 =	vor.u32 s1, v0  }
0xc1: {  	v63 =	vshll.u32 v62, $0x3  }
0xc2: {  	v8 =	vor.u32 v1, v63;
	_ =	sdelay $0x1  }
0xc3: {  	v4 =	vmul.f32 v4, v5;
	_ =	sdelay $0x1  }
0xc4: {  	[tilespmem:v7+s21+$0x0] =	vst.idx.msk $0xffff, v4;
	v4 =	vld.idx.msk [tilespmem:v62+s22+$0x0], $0xffff  }
0xc5: {  	v5 =	vld.idx.msk [tilespmem:v8+s21+$0x0], $0xffff;
	_ =	sdelay $0x4  }
0xc6: {  	v4 =	vmul.f32 v4, v5  }
0xc7: {  	s1 =	sshll.u32 s13, $0x3  }
.Ltmp4:
0xc8: {  	s20 =	sadd.s32 s1, s2;
	[tilespmem:v8+s21+$0x0] =	vst.idx.msk $0xffff, v4;
	(pc) =	sbr.rel @p0 .LBB2_10-.Ltmp4, $4  }
0xc9: {  	[spmem:s20] =	stream.linear.scatter [tilespmem:s21], [sflag:$0x7], $0xC80, $0x38;
	[tilespmem:$0x1E730] =	vst v63  }
0xca: {  	_ =	swait.ge [sflag:s12], $0xC80  }
0xcb: {  	[sflag:s12] =	ssyncset.done $0x0  }
0xcc: {  	s6 =	simm.s32 $0x6;
	[sflag:s12] =	ssyncadd.s32 $0xFFFFF380  }
0xcd: {  	s7 =	sadd.s32 $0xFFFFFFFA, s6;
	s20 =	sadd.s32 $0xFFFFFFFC, s6  }
0xce: {  	s11 =	sadd.s32 $0xFFFFFFFE, s6;
	s13 =	sadd.s32 $0x8, s6;
	v4 =	vmov s7;
	v5 =	vmov s20  }
0xcf: {  	v6 =	vmov s11;
	s18 =	sadd.s32 $0xFFFFFFFA, s13;
	v4 =	vshll.u32 v4, $0x3;
	v5 =	vshll.u32 v5, $0x3  }
0xd0: {  	v6 =	vshll.u32 v6, $0x3;
	v9 =	vmov s18;
	v4 =	vor.u32 v2, v4  }
0xd1: {  	v5 =	vor.u32 v2, v5;
	v8 =	vor.u32 v1, v4;
	v4 =	vmov s6  }
0xd2: {  	v7 =	vshll.u32 v4, $0x3;
	v4 =	vor.u32 v1, v5;
	v5 =	vor.u32 v2, v6  }
0xd3: {  	v6 =	vshll.u32 v9, $0x3;
	v5 =	vor.u32 v1, v5;
	v7 =	vor.u32 v2, v7  }
0xd4: {  	s19 =	sadd.s32 $0xFFFFFFFC, s13;
	v6 =	vor.u32 v2, v6;
	v7 =	vor.u32 v1, v7  }
0xd5: {  	s20 =	sadd.s32 $0xFFFFFFFE, s13;
	v9 =	vmov s19;
	v6 =	vor.u32 v1, v6  }
0xd6: {  	v10 =	vmov s13;
	s6 =	sadd.s32 $0x8, s13;
	[tilespmem:v8+s21+$0x0] =	vst.idx.msk $0xffff, v3;
	v8 =	vshll.u32 v9, $0x3;
	v9 =	vmov s20  }
.LBB2_8:
0xd7: {  	s7 =	sadd.s32 $0xFFFFFFFA, s6;
	v8 =	vor.u32 v2, v8;
	v9 =	vshll.u32 v9, $0x3;
	v10 =	vshll.u32 v10, $0x3;
	[tilespmem:v4+s21+$0x0] =	vst.idx.msk $0xffff, v3;
	p1 =	sne.s32 s6, $0x18E  }
.Ltmp5:
0xd8: {  	v11 =	vmov s7;
	v4 =	vor.u32 v1, v8;
	v8 =	vor.u32 v2, v9;
	[tilespmem:v5+s21+$0x0] =	vst.idx.msk $0xffff, v3;
	(pc) =	sbr.rel @p1 .LBB2_8-.Ltmp5, $4  }
0xd9: {  	v9 =	vshll.u32 v11, $0x3;
	v5 =	vor.u32 v1, v8;
	v8 =	vor.u32 v2, v10;
	[tilespmem:v7+s21+$0x0] =	vst.idx.msk $0xffff, v3  }
0xda: {  	s7 =	sadd.s32 $0xFFFFFFFC, s6;
	v9 =	vor.u32 v2, v9;
	[tilespmem:v6+s21+$0x0] =	vst.idx.msk $0xffff, v3;
	v7 =	vor.u32 v1, v8  }
0xdb: {  	v8 =	vmov s7;
	s7 =	sadd.s32 $0xFFFFFFFE, s6;
	v6 =	vor.u32 v1, v9  }
0xdc: {  	v10 =	vmov s6;
	s6 =	sadd.s32 $0x8, s6;
	v8 =	vshll.u32 v8, $0x3;
	v9 =	vmov s7  }
0xdd: {  	_ =	sdelay $0x1  }
0xde: {  	v8 =	vor.u32 v2, v8;
	v9 =	vshll.u32 v9, $0x3  }
0xdf: {  	v10 =	vshll.u32 v10, $0x3;
	v8 =	vor.u32 v1, v8;
	v9 =	vor.u32 v2, v9  }
0xe0: {  	[tilespmem:v4+s21+$0x0] =	vst.idx.msk $0xffff, v3;
	v63 =	vor.u32 v2, v10;
	v4 =	vor.u32 v1, v9  }
0xe1: {  	[tilespmem:v5+s21+$0x0] =	vst.idx.msk $0xffff, v3;
	v5 =	vor.u32 v1, v63  }
.Ltmp6:
0xe2: {  	[tilespmem:v7+s21+$0x0] =	vst.idx.msk $0xffff, v3;
	(pc) =	sbr.rel .LBB2_10-.Ltmp6, $4  }
0xe3: {  	[tilespmem:v6+s21+$0x0] =	vst.idx.msk $0xffff, v3  }
0xe4: {  	[tilespmem:v8+s21+$0x0] =	vst.idx.msk $0xffff, v3  }
0xe5: {  	[tilespmem:v4+s21+$0x0] =	vst.idx.msk $0xffff, v3  }
0xe6: {  	[tilespmem:v5+s21+$0x0] =	vst.idx.msk $0xffff, v3  }
.LBB2_11:
0xe7: {  	[bflag:$0x0] =	sbarrier.arrive $0xFFFF  }
0xe8: {  	s1 =	simm.s32 $0x0;
	s6 =	rddreg [dreg:$0x8]  }
0xe9: {  	[tilespmem:s23], [sflag:$0x7] =	stream.linear.gather [hbm4b:s6+s1], $0x380, $0x38;
	[tilespmem:$0x1E730] =	vst v63  }
0xea: {  	_ =	swait.ge [sflag:s12], $0x380  }
0xeb: {  	[sflag:s12] =	ssyncset.done $0x0  }
0xec: {  	s20 =	rddreg [dreg:$0x9];
	[sflag:s12] =	ssyncadd.s32 $0xFFFFFC80  }
0xed: {  	[tilespmem:s24], [sflag:$0x7] =	stream.linear.gather [hbm4b:s20+s1], $0x380, $0x38;
	[tilespmem:$0x1E730] =	vst v63  }
0xee: {  	_ =	swait.ge [sflag:s12], $0x380  }
0xef: {  	[sflag:s12] =	ssyncset.done $0x0  }
0xf0: {  	[sflag:s12] =	ssyncadd.s32 $0xFFFFFC80  }
0xf1: {  	[tilespmem:s26], [sflag:$0x4] =	stream.indirect.gather [spmem:s2], $0x8, s23, s25, $0xb8;
	[tilespmem:$0x1E730] =	vst v63  }
0xf2: {  	_ =	swait.ge [sflag:s28], $0x1C00  }
0xf3: {  	[sflag:s28] =	ssyncset.done $0x0  }
0xf4: {  	[sflag:s28] =	ssyncadd.s32 $0xFFFFE400  }
0xf5: {  	[spmem:s3] =	stream.indirect.scatter.add.f32 [tilespmem:s26], [sflag:$0x6], $0x8, s24, s25, $0xb8;
	[tilespmem:$0x1E730] =	vst v63  }
0xf6: {  	s7 =	rddreg [dreg:$0xa]  }
0xf7: {  	[tilespmem:s29], [sflag:$0x7] =	stream.linear.gather [hbm4b:s7+s1], $0x380, $0x38;
	[tilespmem:$0x1E730] =	vst v63  }
0xf8: {  	_ =	swait.ge [sflag:s12], $0x380  }
0xf9: {  	[sflag:s12] =	ssyncset.done $0x0  }
0xfa: {  	s11 =	rddreg [dreg:$0xb];
	[sflag:s12] =	ssyncadd.s32 $0xFFFFFC80  }
0xfb: {  	[tilespmem:s30], [sflag:$0x7] =	stream.linear.gather [hbm4b:s11+s1], $0x380, $0x38;
	[tilespmem:$0x1E730] =	vst v63  }
0xfc: {  	_ =	swait.ge [sflag:s12], $0x380  }
0xfd: {  	[sflag:s12] =	ssyncset.done $0x0  }
0xfe: {  	[sflag:s12] =	ssyncadd.s32 $0xFFFFFC80  }
0xff: {  	[tilespmem:s31], [sflag:$0x3] =	stream.indirect.gather [spmem:s2], $0x8, s29, s25, $0xb8;
	[tilespmem:$0x1E730] =	vst v63  }
0x100: {  	_ =	swait.ge [sflag:s0], $0x1C00  }
0x101: {  	[sflag:s0] =	ssyncset.done $0x0  }
0x102: {  	s13 =	sadd.s32 $0x0, s17;
	[sflag:s0] =	ssyncadd.s32 $0xFFFFE400  }
0x103: {  	[tilespmem:s23], [sflag:$0x2] =	stream.linear.gather [hbm4b:s13+s4], $0x380, $0x38;
	[tilespmem:$0x1E730] =	vst v63  }
0x104: {  	s18 =	sadd.s32 $0x0, s16  }
0x105: {  	[tilespmem:s24], [sflag:$0x2] =	stream.linear.gather [hbm4b:s18+s4], $0x380, $0x38;
	[tilespmem:$0x1E730] =	vst v63  }
0x106: {  	_ =	swait.ge [sflag:s5], $0x1C00  }
0x107: {  	[sflag:s5] =	ssyncset.done $0x0  }
0x108: {  	[sflag:s5] =	ssyncadd.s32 $0xFFFFE400  }
0x109: {  	[spmem:s3] =	stream.indirect.scatter.add.f32 [tilespmem:s31], [sflag:$0x5], $0x8, s30, s25, $0xb8;
	[tilespmem:$0x1E730] =	vst v63  }
0x10a: {  	_ =	swait.ge [sflag:s8], $0x380  }
0x10b: {  	[sflag:s8] =	ssyncset.done $0x0  }
0x10c: {  	[sflag:s8] =	ssyncadd.s32 $0xFFFFFC80  }
0x10d: {  	_ =	swait.ge [sflag:s8], $0x380  }
0x10e: {  	[sflag:s8] =	ssyncset.done $0x0  }
0x10f: {  	[sflag:s8] =	ssyncadd.s32 $0xFFFFFC80  }
0x110: {  	[tilespmem:s26], [sflag:$0x4] =	stream.indirect.gather [spmem:s2], $0x8, s23, s25, $0xb8;
	[tilespmem:$0x1E730] =	vst v63  }
0x111: {  	_ =	swait.ge [sflag:s9], $0x1C00  }
0x112: {  	[sflag:s9] =	ssyncset.done $0x0  }
0x113: {  	s19 =	sadd.s32 $0x0, s15;
	[sflag:s9] =	ssyncadd.s32 $0xFFFFE400  }
0x114: {  	[tilespmem:s29], [sflag:$0x1] =	stream.linear.gather [hbm4b:s19+s4], $0x380, $0x38;
	[tilespmem:$0x1E730] =	vst v63  }
0x115: {  	s20 =	sadd.s32 $0x0, s14  }
0x116: {  	[tilespmem:s30], [sflag:$0x1] =	stream.linear.gather [hbm4b:s20+s4], $0x380, $0x38;
	[tilespmem:$0x1E730] =	vst v63  }
0x117: {  	_ =	swait.ge [sflag:s28], $0x1C00  }
0x118: {  	[sflag:s28] =	ssyncset.done $0x0  }
0x119: {  	[sflag:s28] =	ssyncadd.s32 $0xFFFFE400  }
0x11a: {  	[spmem:s3] =	stream.indirect.scatter.add.f32 [tilespmem:s26], [sflag:$0x6], $0x8, s24, s25, $0xb8;
	[tilespmem:$0x1E730] =	vst v63  }
0x11b: {  	_ =	swait.ge [sflag:s10], $0x380  }
0x11c: {  	[sflag:s10] =	ssyncset.done $0x0  }
0x11d: {  	[sflag:s10] =	ssyncadd.s32 $0xFFFFFC80  }
0x11e: {  	_ =	swait.ge [sflag:s10], $0x380  }
0x11f: {  	s1 =	simm.s32 $0xE0;
	[sflag:s10] =	ssyncset.done $0x0  }
.LBB2_12:
0x120: {  	p1 =	sne.s32 s1, $0x6040  }
0x121: {  	[sflag:s10] =	ssyncadd.s32 $0xFFFFFC80;
	s6 =	smov.u32 s1;
	s1 =	sadd.s32 $0xE0, s1  }
0x122: {  	[tilespmem:s31], [sflag:$0x3] =	stream.indirect.gather [spmem:s2], $0x8, s29, s25, $0xb8;
	[tilespmem:$0x1E730] =	vst v63  }
0x123: {  	_ =	swait.ge [sflag:s0], $0x1C00  }
0x124: {  	[sflag:s0] =	ssyncset.done $0x0  }
0x125: {  	s7 =	sadd.s32 s6, s17;
	[sflag:s0] =	ssyncadd.s32 $0xFFFFE400  }
0x126: {  	[tilespmem:s23], [sflag:$0x2] =	stream.linear.gather [hbm4b:s7+s4], $0x380, $0x38;
	[tilespmem:$0x1E730] =	vst v63  }
0x127: {  	s7 =	sadd.s32 s6, s16  }
0x128: {  	[tilespmem:s24], [sflag:$0x2] =	stream.linear.gather [hbm4b:s7+s4], $0x380, $0x38;
	[tilespmem:$0x1E730] =	vst v63  }
0x129: {  	_ =	swait.ge [sflag:s5], $0x1C00  }
0x12a: {  	[sflag:s5] =	ssyncset.done $0x0  }
0x12b: {  	[sflag:s5] =	ssyncadd.s32 $0xFFFFE400  }
0x12c: {  	[spmem:s3] =	stream.indirect.scatter.add.f32 [tilespmem:s31], [sflag:$0x5], $0x8, s30, s25, $0xb8;
	[tilespmem:$0x1E730] =	vst v63  }
0x12d: {  	_ =	swait.ge [sflag:s8], $0x380  }
0x12e: {  	[sflag:s8] =	ssyncset.done $0x0  }
0x12f: {  	[sflag:s8] =	ssyncadd.s32 $0xFFFFFC80  }
0x130: {  	_ =	swait.ge [sflag:s8], $0x380  }
0x131: {  	[sflag:s8] =	ssyncset.done $0x0  }
0x132: {  	[sflag:s8] =	ssyncadd.s32 $0xFFFFFC80  }
0x133: {  	[tilespmem:s26], [sflag:$0x4] =	stream.indirect.gather [spmem:s2], $0x8, s23, s25, $0xb8;
	[tilespmem:$0x1E730] =	vst v63  }
0x134: {  	_ =	swait.ge [sflag:s9], $0x1C00  }
0x135: {  	[sflag:s9] =	ssyncset.done $0x0  }
0x136: {  	s7 =	sadd.s32 s6, s15;
	[sflag:s9] =	ssyncadd.s32 $0xFFFFE400  }
0x137: {  	[tilespmem:s29], [sflag:$0x1] =	stream.linear.gather [hbm4b:s7+s4], $0x380, $0x38;
	[tilespmem:$0x1E730] =	vst v63  }
0x138: {  	s6 =	sadd.s32 s6, s14  }
0x139: {  	[tilespmem:s30], [sflag:$0x1] =	stream.linear.gather [hbm4b:s6+s4], $0x380, $0x38;
	[tilespmem:$0x1E730] =	vst v63  }
0x13a: {  	_ =	swait.ge [sflag:s28], $0x1C00  }
0x13b: {  	[sflag:s28] =	ssyncset.done $0x0  }
0x13c: {  	[sflag:s28] =	ssyncadd.s32 $0xFFFFE400  }
0x13d: {  	[spmem:s3] =	stream.indirect.scatter.add.f32 [tilespmem:s26], [sflag:$0x6], $0x8, s24, s25, $0xb8;
	[tilespmem:$0x1E730] =	vst v63  }
.Ltmp7:
0x13e: {  	_ =	swait.ge [sflag:s10], $0x380;
	(pc) =	sbr.rel @p1 .LBB2_12-.Ltmp7, $4  }
0x13f: {  	[sflag:s10] =	ssyncset.done $0x0  }
0x140: {  	[sflag:s10] =	ssyncadd.s32 $0xFFFFFC80  }
0x141: {  	_ =	swait.ge [sflag:s10], $0x380  }
0x142: {  	[sflag:s10] =	ssyncset.done $0x0  }
0x143: {  	[sflag:s10] =	ssyncadd.s32 $0xFFFFFC80  }
0x144: {  	_ =	swait.ge [sflag:s0], $0x1C00  }
0x145: {  	[sflag:s0] =	ssyncset.done $0x0  }
0x146: {  	[sflag:s0] =	ssyncadd.s32 $0xFFFFE400  }
0x147: {  	[tilespmem:s31], [sflag:$0x3] =	stream.indirect.gather [spmem:s2], $0x8, s29, s25, $0xb8;
	[tilespmem:$0x1E730] =	vst v63  }
0x148: {  	_ =	swait.ge [sflag:s5], $0x1C00  }
0x149: {  	[sflag:s5] =	ssyncset.done $0x0  }
0x14a: {  	[sflag:s5] =	ssyncadd.s32 $0xFFFFE400  }
0x14b: {  	[spmem:s3] =	stream.indirect.scatter.add.f32 [tilespmem:s31], [sflag:$0x5], $0x8, s30, s25, $0xb8;
	[tilespmem:$0x1E730] =	vst v63  }
0x14c: {  	_ =	swait.ge [sflag:s9], $0x1C00  }
0x14d: {  	[sflag:s9] =	ssyncset.done $0x0  }
0x14e: {  	[sflag:s9] =	ssyncadd.s32 $0xFFFFE400  }
0x14f: {  	s1 =	simm.s32 $0x0;
	[bflag:$0x0] =	sbarrier.arrive $0xFFFF  }
.LBB2_14:
0x150: {  	[dreg:$0x10] =	wrdreg s1;
	s13 =	smul.u32 $0x190, s1  }
0x151: {  	s6 =	rddreg [dreg:$0x6]  }
0x152: {  	s18 =	rddreg [dreg:$0x7];
	s1 =	sadd.s32 s6, s13  }
0x153: {  	[dreg:$0x11] =	wrdreg s1;
	s1 =	sshrl.u32 s1, $0x3  }
0x154: {  	s19 =	simm.s32 $0x19E10;
	s7 =	simm.s32 $0x0;
	s1 =	sadd.s32 s18, s1  }
0x155: {  	[tilespmem:s19], [sflag:$0x7] =	stream.linear.gather [hbm4b:s1+s7], $0x190, $0x38;
	[tilespmem:$0x1E730] =	vst v63  }
0x156: {  	_ =	swait.ge [sflag:s12], $0x190  }
0x157: {  	[sflag:s12] =	ssyncset.done $0x0  }
0x158: {  	s20 =	simm.s32 $0x19FA0;
	s1 =	sadd.s32 $0x3200, s1;
	[sflag:s12] =	ssyncadd.s32 $0xFFFFFE70  }
0x159: {  	[tilespmem:s20], [sflag:$0x7] =	stream.linear.gather [hbm4b:s1+s7], $0x190, $0x38;
	[tilespmem:$0x1E730] =	vst v63  }
0x15a: {  	_ =	swait.ge [sflag:s12], $0x190  }
0x15b: {  	[sflag:s12] =	ssyncset.done $0x0  }
0x15c: {  	s18 =	simm.s32 $0x0;
	[sflag:s12] =	ssyncadd.s32 $0xFFFFFE70  }
0x15d: {  	v4 =	vld [tilespmem:s18+$0x19FA0]  }
0x15e: {  	v5 =	vld [tilespmem:s18+$0x19E10];
	_ =	sdelay $0x2  }
0x15f: {  	s12 =	simm.s32 $0x10  }
0x160: {  	v6 =	vld [tilespmem:s12+$0x19FA0]  }
0x161: {  	v4 =	vadd.f32 v4, v5;
	v5 =	vld [tilespmem:s12+$0x19E10];
	_ =	sdelay $0x1  }
0x162: {  	v4 =	vadd.f32 $1.000000000e+00, v4;
	_ =	sdelay $0x1  }
0x163: {  	s20 =	simm.s32 $0x20;
	v7 =	vshrl.u32 v4, $0x1;
	v8 =	vmul.f32 $5.000000000e-01, v4  }
0x164: {  	v9 =	vld [tilespmem:s20+$0x19E10];
	v4 =	vsub.s32 $0x5F3759DF, v7;
	v5 =	vadd.f32 v6, v5  }
0x165: {  	v7 =	vld [tilespmem:s20+$0x19FA0];
	v6 =	vmul.f32 v4, v8  }
0x166: {  	v5 =	vadd.f32 $1.000000000e+00, v5  }
0x167: {  	v6 =	vmul.f32 v4, v6  }
0x168: {  	s6 =	simm.s32 $0x30;
	v10 =	vshrl.u32 v5, $0x1;
	v12 =	vmul.f32 $5.000000000e-01, v5  }
0x169: {  	v11 =	vld [tilespmem:s6+$0x19E10];
	v5 =	vsub.f32 $1.500000000e+00, v6;
	v6 =	vsub.s32 $0x5F3759DF, v10  }
0x16a: {  	v10 =	vld [tilespmem:s6+$0x19FA0];
	v7 =	vadd.f32 v7, v9;
	v9 =	vmul.f32 v6, v12  }
0x16b: {  	s7 =	simm.s32 $0x40;
	v5 =	vmul.f32 v4, v5  }
0x16c: {  	v14 =	vld [tilespmem:s7+$0x19FA0];
	v4 =	vadd.f32 $1.000000000e+00, v7;
	v7 =	vmul.f32 v6, v9  }
0x16d: {  	v15 =	vld [tilespmem:s7+$0x19E10];
	v9 =	vmul.f32 v5, v8  }
0x16e: {  	v13 =	vshrl.u32 v4, $0x1;
	v4 =	vmul.f32 $5.000000000e-01, v4;
	v7 =	vsub.f32 $1.500000000e+00, v7  }
0x16f: {  	v13 =	vsub.s32 $0x5F3759DF, v13;
	v10 =	vadd.f32 v10, v11;
	v9 =	vmul.f32 v9, v5  }
0x170: {  	v11 =	vmul.f32 v13, v4;
	v6 =	vmul.f32 v6, v7  }
0x171: {  	v7 =	vsub.f32 $1.500000000e+00, v9;
	v9 =	vadd.f32 $1.000000000e+00, v10  }
0x172: {  	v14 =	vadd.f32 v14, v15;
	v10 =	vmul.f32 v13, v11;
	v11 =	vmul.f32 v6, v12  }
0x173: {  	v7 =	vmul.f32 v7, v5;
	v16 =	vshrl.u32 v9, $0x1;
	v5 =	vmul.f32 $5.000000000e-01, v9  }
0x174: {  	s13 =	simm.s32 $0x50;
	v10 =	vsub.f32 $1.500000000e+00, v10;
	v9 =	vsub.s32 $0x5F3759DF, v16;
	v11 =	vmul.f32 v11, v6  }
0x175: {  	v17 =	vld [tilespmem:s13+$0x19E10];
	v16 =	vmul.f32 v7, v8;
	v15 =	vmul.f32 v9, v5  }
0x176: {  	v14 =	vadd.f32 $1.000000000e+00, v14;
	v8 =	vmul.f32 v13, v10;
	v13 =	vld [tilespmem:s13+$0x19FA0];
	v10 =	vsub.f32 $1.500000000e+00, v11  }
0x177: {  	v11 =	vmul.f32 v16, v7;
	v15 =	vmul.f32 v9, v15  }
0x178: {  	v19 =	vshrl.u32 v14, $0x1;
	v18 =	vmul.f32 v8, v4;
	v6 =	vmul.f32 v10, v6  }
0x179: {  	v10 =	vmul.f32 $5.000000000e-01, v14;
	v11 =	vsub.f32 $1.500000000e+00, v11;
	v16 =	vsub.f32 $1.500000000e+00, v15  }
0x17a: {  	s19 =	simm.s32 $0x1C0;
	s1 =	simm.s32 $0x60;
	v15 =	vsub.s32 $0x5F3759DF, v19;
	v14 =	vmul.f32 v18, v8;
	v12 =	vmul.f32 v6, v12  }
.LBB2_15:
0x17b: {  	s11 =	sshra.s32 s19, $0x2;
	p1 =	sne.s32 s19, $0x600;
	s19 =	sadd.s32 $0x40, s19;
	v18 =	vadd.f32 v13, v17;
	v13 =	vld [tilespmem:s1+$0x19FA0];
	v19 =	vmul.f32 v15, v10;
	v16 =	vmul.f32 v9, v16;
	v20 =	vmovc v10  }
.Ltmp8:
0x17c: {  	v9 =	vmovc v15;
	v17 =	vld [tilespmem:s1+$0x19E10];
	v10 =	vsub.f32 $1.500000000e+00, v14;
	v12 =	vmul.f32 v12, v6;
	v14 =	vmul.f32 v11, v7;
	v7 =	vmovc v6;
	(pc) =	sbr.rel @p1 .LBB2_15-.Ltmp8, $4  }
0x17d: {  	v15 =	vadd.f32 $1.000000000e+00, v18;
	v18 =	vmul.f32 v9, v19;
	v19 =	vmul.f32 v16, v5  }
0x17e: {  	v6 =	vmul.f32 v10, v8;
	v11 =	vsub.f32 $1.500000000e+00, v12;
	[tilespmem:s18+$0x19C80] =	vst v14;
	v8 =	vmov v16;
	s18 =	smov.u32 s12;
	s12 =	smov.u32 s20;
	s20 =	smov.u32 s6  }
0x17f: {  	s6 =	smov.u32 s7;
	s7 =	smov.u32 s13;
	s13 =	smov.u32 s1;
	v12 =	vshrl.u32 v15, $0x1;
	v10 =	vmul.f32 $5.000000000e-01, v15;
	v16 =	vsub.f32 $1.500000000e+00, v18  }
0x180: {  	s1 =	smov.u32 s11;
	v14 =	vmul.f32 v19, v8;
	v15 =	vsub.s32 $0x5F3759DF, v12;
	v12 =	vmul.f32 v6, v4;
	v4 =	vmovc v5;
	v5 =	vmovc v20  }
0x181: {  	v18 =	vld [tilespmem:s1+$0x19FA0]  }
0x182: {  	v19 =	vld [tilespmem:s1+$0x19E10];
	_ =	sdelay $0x3  }
0x183: {  	v13 =	vadd.f32 v13, v17  }
0x184: {  	v50 =	vadd.f32 v18, v19  }
0x185: {  	v13 =	vadd.f32 $1.000000000e+00, v13  }
0x186: {  	v17 =	vadd.f32 $1.000000000e+00, v50  }
0x187: {  	v51 =	vmul.f32 v15, v10;
	v52 =	vshrl.u32 v13, $0x1;
	v13 =	vmul.f32 $5.000000000e-01, v13  }
0x188: {  	v19 =	vsub.s32 $0x5F3759DF, v52;
	v20 =	vshrl.u32 v17, $0x1;
	v17 =	vmul.f32 $5.000000000e-01, v17  }
0x189: {  	v21 =	vmul.f32 v19, v13;
	v20 =	vsub.s32 $0x5F3759DF, v20  }
0x18a: {  	v18 =	vmul.f32 v15, v51;
	v22 =	vmul.f32 v20, v17  }
0x18b: {  	v21 =	vmul.f32 v19, v21  }
0x18c: {  	v9 =	vmul.f32 v9, v16;
	v18 =	vsub.f32 $1.500000000e+00, v18;
	v53 =	vmul.f32 v20, v22  }
0x18d: {  	v7 =	vmul.f32 v11, v7;
	v14 =	vsub.f32 $1.500000000e+00, v14;
	v55 =	vsub.f32 $1.500000000e+00, v21  }
0x18e: {  	v56 =	vmul.f32 v9, v5;
	v54 =	vmul.f32 v15, v18;
	v16 =	vsub.f32 $1.500000000e+00, v53  }
0x18f: {  	v8 =	vmul.f32 v14, v8;
	v18 =	vmul.f32 v19, v55  }
0x190: {  	v57 =	vmul.f32 v54, v10;
	v16 =	vmul.f32 v20, v16  }
0x191: {  	v11 =	vmul.f32 v56, v9;
	v58 =	vmul.f32 v18, v13  }
0x192: {  	v19 =	vmul.f32 v57, v54;
	v59 =	vmul.f32 v16, v17  }
0x193: {  	v11 =	vsub.f32 $1.500000000e+00, v11;
	v20 =	vmul.f32 v58, v18  }
0x194: {  	v4 =	vmul.f32 v8, v4;
	v19 =	vsub.f32 $1.500000000e+00, v19;
	v14 =	vmul.f32 v59, v16  }
0x195: {  	v12 =	vmul.f32 v12, v6;
	v9 =	vmul.f32 v11, v9;
	v61 =	vsub.f32 $1.500000000e+00, v20  }
0x196: {  	v4 =	vmul.f32 v4, v8;
	v60 =	vmul.f32 v19, v54;
	v14 =	vsub.f32 $1.500000000e+00, v14  }
0x197: {  	v5 =	vmul.f32 v9, v5;
	v15 =	vmul.f32 v61, v18  }
0x198: {  	v62 =	vmul.f32 v60, v10;
	v14 =	vmul.f32 v14, v16  }
0x199: {  	v12 =	vsub.f32 $1.500000000e+00, v12;
	v5 =	vmul.f32 v5, v9;
	v13 =	vmul.f32 v15, v13  }
0x19a: {  	v4 =	vsub.f32 $1.500000000e+00, v4;
	v10 =	vmul.f32 v62, v60;
	v16 =	vmul.f32 v14, v17  }
0x19b: {  	v6 =	vmul.f32 v12, v6;
	v5 =	vsub.f32 $1.500000000e+00, v5;
	v63 =	vmul.f32 v13, v15  }
0x19c: {  	[tilespmem:s18+$0x19C80] =	vst v7;
	v4 =	vmul.f32 v4, v8;
	v7 =	vsub.f32 $1.500000000e+00, v10;
	v8 =	vmul.f32 v16, v14  }
0x19d: {  	[tilespmem:s12+$0x19C80] =	vst v6;
	v5 =	vmul.f32 v5, v9;
	v6 =	vsub.f32 $1.500000000e+00, v63  }
0x19e: {  	[tilespmem:s20+$0x19C80] =	vst v4;
	v4 =	vmul.f32 v7, v60;
	v7 =	vsub.f32 $1.500000000e+00, v8  }
0x19f: {  	s18 =	rddreg [dreg:$0x11];
	[tilespmem:s6+$0x19C80] =	vst v5;
	v5 =	vmul.f32 v6, v15  }
0x1a0: {  	s19 =	sshll.u32 s18, $0x3;
	s20 =	simm.s32 $0x0;
	[tilespmem:s7+$0x19C80] =	vst v4;
	v4 =	vmul.f32 v7, v14  }
0x1a1: {  	s6 =	sand.u32 $0x3FFFFFF8, s19;
	[tilespmem:s13+$0x19C80] =	vst v5;
	v5 =	vor.u32 s20, v0  }
0x1a2: {  	s12 =	simm.s32 $0x7;
	s7 =	sadd.s32 s6, s3;
	[tilespmem:s1+$0x19C80] =	vst v4;
	v4 =	vshll.u32 v5, $0x3  }
0x1a3: {  	[tilespmem:s21], [sflag:$0x7] =	stream.linear.gather [spmem:s7], $0xC80, $0x38;
	v4 =	vor.u32 v1, v4;
	[tilespmem:$0x1E730] =	vst v63  }
0x1a4: {  	_ =	swait.ge [sflag:s12], $0xC80  }
0x1a5: {  	[sflag:s12] =	ssyncset.done $0x0  }
0x1a6: {  	[sflag:s12] =	ssyncadd.s32 $0xFFFFF380  }
0x1a7: {  	v5 =	vld.idx.msk [tilespmem:v5+s22+$0x0], $0xffff  }
0x1a8: {  	s11 =	simm.s32 $0x2;
	v6 =	vld.idx.msk [tilespmem:v4+s21+$0x0], $0xffff  }
0x1a9: {  	v7 =	vor.u32 s11, v0  }
0x1aa: {  	v8 =	vshll.u32 v7, $0x3  }
0x1ab: {  	v8 =	vor.u32 v1, v8;
	_ =	sdelay $0x1  }
0x1ac: {  	v5 =	vmul.f32 v5, v6;
	_ =	sdelay $0x1  }
0x1ad: {  	[tilespmem:v4+s21+$0x0] =	vst.idx.msk $0xffff, v5;
	v4 =	vld.idx.msk [tilespmem:v7+s22+$0x0], $0xffff  }
0x1ae: {  	s13 =	simm.s32 $0x4;
	v5 =	vld.idx.msk [tilespmem:v8+s21+$0x0], $0xffff  }
0x1af: {  	v6 =	vor.u32 s13, v0  }
0x1b0: {  	v7 =	vshll.u32 v6, $0x3  }
0x1b1: {  	v7 =	vor.u32 v1, v7;
	_ =	sdelay $0x1  }
0x1b2: {  	v4 =	vmul.f32 v4, v5;
	_ =	sdelay $0x1  }
0x1b3: {  	v5 =	vld.idx.msk [tilespmem:v6+s22+$0x0], $0xffff;
	[tilespmem:v8+s21+$0x0] =	vst.idx.msk $0xffff, v4  }
0x1b4: {  	s19 =	simm.s32 $0x6;
	v6 =	vld.idx.msk [tilespmem:v7+s21+$0x0], $0xffff  }
0x1b5: {  	v8 =	vor.u32 s19, v0  }
0x1b6: {  	v4 =	vshll.u32 v8, $0x3  }
0x1b7: {  	v4 =	vor.u32 v1, v4;
	_ =	sdelay $0x1  }
0x1b8: {  	v5 =	vmul.f32 v5, v6;
	_ =	sdelay $0x1  }
0x1b9: {  	[tilespmem:v7+s21+$0x0] =	vst.idx.msk $0xffff, v5;
	v7 =	vld.idx.msk [tilespmem:v8+s22+$0x0], $0xffff  }
0x1ba: {  	s20 =	simm.s32 $0x8;
	v8 =	vld.idx.msk [tilespmem:v4+s21+$0x0], $0xffff  }
0x1bb: {  	v6 =	vor.u32 s20, v0  }
0x1bc: {  	v5 =	vshll.u32 v6, $0x3  }
0x1bd: {  	v5 =	vor.u32 v1, v5;
	_ =	sdelay $0x1  }
0x1be: {  	s6 =	simm.s32 $0x16;
	s1 =	simm.s32 $0xE;
	v7 =	vmul.f32 v7, v8  }
.LBB2_17:
0x1bf: {  	_ = 	snop  }
0x1c0: {  	p1 =	sne.s32 s6, $0x18E;
	v6 =	vld.idx.msk [tilespmem:v6+s22+$0x0], $0xffff;
	s7 =	smov.u32 s6;
	s6 =	sadd.s32 $0x8, s6;
	[tilespmem:v4+s21+$0x0] =	vst.idx.msk $0xffff, v7  }
0x1c1: {  	v4 =	vld.idx.msk [tilespmem:v5+s21+$0x0], $0xffff  }
0x1c2: {  	s11 =	sadd.s32 $0xFFFFFFFC, s1  }
0x1c3: {  	v7 =	vor.u32 s11, v0  }
0x1c4: {  	v8 =	vshll.u32 v7, $0x3  }
0x1c5: {  	v8 =	vor.u32 v1, v8;
	_ =	sdelay $0x1  }
0x1c6: {  	v4 =	vmul.f32 v6, v4;
	_ =	sdelay $0x1  }
0x1c7: {  	[tilespmem:v5+s21+$0x0] =	vst.idx.msk $0xffff, v4;
	v4 =	vld.idx.msk [tilespmem:v7+s22+$0x0], $0xffff  }
0x1c8: {  	v5 =	vld.idx.msk [tilespmem:v8+s21+$0x0], $0xffff  }
0x1c9: {  	s11 =	sadd.s32 $0xFFFFFFFE, s1  }
0x1ca: {  	v6 =	vor.u32 s11, v0  }
0x1cb: {  	v7 =	vshll.u32 v6, $0x3  }
0x1cc: {  	v7 =	vor.u32 v1, v7;
	_ =	sdelay $0x1  }
0x1cd: {  	v4 =	vmul.f32 v4, v5;
	_ =	sdelay $0x1  }
0x1ce: {  	[tilespmem:v8+s21+$0x0] =	vst.idx.msk $0xffff, v4;
	v5 =	vld.idx.msk [tilespmem:v6+s22+$0x0], $0xffff  }
0x1cf: {  	v6 =	vld.idx.msk [tilespmem:v7+s21+$0x0], $0xffff;
	_ =	sdelay $0x1  }
0x1d0: {  	v8 =	vor.u32 s1, v0;
	s1 =	smov.u32 s7  }
0x1d1: {  	v4 =	vshll.u32 v8, $0x3  }
0x1d2: {  	v4 =	vor.u32 v1, v4;
	_ =	sdelay $0x1  }
0x1d3: {  	v5 =	vmul.f32 v5, v6;
	_ =	sdelay $0x1  }
0x1d4: {  	[tilespmem:v7+s21+$0x0] =	vst.idx.msk $0xffff, v5;
	v7 =	vld.idx.msk [tilespmem:v8+s22+$0x0], $0xffff  }
0x1d5: {  	v8 =	vld.idx.msk [tilespmem:v4+s21+$0x0], $0xffff  }
0x1d6: {  	s7 =	sadd.s32 $0xFFFFFFFA, s1  }
.Ltmp9:
0x1d7: {  	v6 =	vor.u32 s7, v0;
	(pc) =	sbr.rel @p1 .LBB2_17-.Ltmp9, $3  }
0x1d8: {  	v5 =	vshll.u32 v6, $0x3  }
0x1d9: {  	v5 =	vor.u32 v1, v5;
	_ =	sdelay $0x1  }
0x1da: {  	v7 =	vmul.f32 v7, v8  }
0x1db: {  	_ =	sdelay $0x3  }
0x1dc: {  	v6 =	vld.idx.msk [tilespmem:v6+s22+$0x0], $0xffff;
	[tilespmem:v4+s21+$0x0] =	vst.idx.msk $0xffff, v7  }
0x1dd: {  	s6 =	sadd.s32 $0xFFFFFFFC, s1;
	v4 =	vld.idx.msk [tilespmem:v5+s21+$0x0], $0xffff  }
0x1de: {  	v59 =	vor.u32 s6, v0  }
0x1df: {  	v8 =	vshll.u32 v59, $0x3  }
0x1e0: {  	v8 =	vor.u32 v1, v8;
	_ =	sdelay $0x1  }
0x1e1: {  	v4 =	vmul.f32 v6, v4;
	_ =	sdelay $0x1  }
0x1e2: {  	[tilespmem:v5+s21+$0x0] =	vst.idx.msk $0xffff, v4;
	v4 =	vld.idx.msk [tilespmem:v59+s22+$0x0], $0xffff  }
0x1e3: {  	s13 =	sadd.s32 $0xFFFFFFFE, s1;
	v5 =	vld.idx.msk [tilespmem:v8+s21+$0x0], $0xffff  }
0x1e4: {  	v60 =	vor.u32 s13, v0  }
0x1e5: {  	v61 =	vshll.u32 v60, $0x3  }
0x1e6: {  	v7 =	vor.u32 v1, v61;
	_ =	sdelay $0x1  }
0x1e7: {  	v4 =	vmul.f32 v4, v5;
	_ =	sdelay $0x1  }
0x1e8: {  	[tilespmem:v8+s21+$0x0] =	vst.idx.msk $0xffff, v4;
	v4 =	vld.idx.msk [tilespmem:v60+s22+$0x0], $0xffff  }
0x1e9: {  	v5 =	vld.idx.msk [tilespmem:v7+s21+$0x0], $0xffff  }
0x1ea: {  	v62 =	vor.u32 s1, v0  }
0x1eb: {  	v63 =	vshll.u32 v62, $0x3  }
0x1ec: {  	v8 =	vor.u32 v1, v63;
	_ =	sdelay $0x1  }
0x1ed: {  	v4 =	vmul.f32 v4, v5;
	_ =	sdelay $0x1  }
0x1ee: {  	[tilespmem:v7+s21+$0x0] =	vst.idx.msk $0xffff, v4;
	v4 =	vld.idx.msk [tilespmem:v62+s22+$0x0], $0xffff  }
0x1ef: {  	v5 =	vld.idx.msk [tilespmem:v8+s21+$0x0], $0xffff;
	_ =	sdelay $0x4  }
0x1f0: {  	v4 =	vmul.f32 v4, v5  }
0x1f1: {  	s19 =	rddreg [dreg:$0xc]  }
0x1f2: {  	s1 =	sadd.s32 s18, s19;
	[tilespmem:v8+s21+$0x0] =	vst.idx.msk $0xffff, v4  }
0x1f3: {  	[hbm4b:s1+s4] =	stream.linear.scatter [tilespmem:s21], [sflag:$0x7], $0xC80, $0x38;
	[tilespmem:$0x1E730] =	vst v63  }
0x1f4: {  	_ =	swait.ge [sflag:s12], $0xC80  }
0x1f5: {  	s20 =	rddreg [dreg:$0x10]  }
0x1f6: {  	s1 =	sadd.s32 $0x1, s20  }
0x1f7: {  	p1 =	sne.s32 s1, $0x10  }
.Ltmp10:
0x1f8: {  	_ = 	snop;
	(pc) =	sbr.rel @p1 .LBB2_14-.Ltmp10, $3  }
0x1f9: {  	_ =	sdelay $0x1  }
0x1fa: {  	[sflag:s12] =	ssyncset.done $0x0  }
0x1fb: {  	[sflag:s12] =	ssyncadd.s32 $0xFFFFF380  }
0x1fc: {  	s6 =	rddreg [dreg:$0xe]  }
0x1fd: {  	s1 =	rddreg [dreg:$0xd];
	s6 =	sadd.s32 $0x1, s6  }
0x1fe: {  	p1 =	sne.s32 s6, s1  }
.Ltmp11:
0x1ff: {  	_ = 	snop;
	(pc) =	sbr.rel @p1 .LBB2_1-.Ltmp11, $1  }
0x200: {  	_ =	sdelay $0x3  }
0x201: {  	_ =	sfence.sel $0x180000  }
0x202: {  	[bflag:$0x0] =	sbarrier.arrive $0xFFFF  }
0x203: {  	_ =	strace $0x9000004A  }
0x204: {  	s0 =	stileid.u32;
	[bflag:$0x2] =	sbarrier.arrive $0xFFFF  }
0x205: {  	p0 =	sne.s32 s0, $0x0;
	s0 =	rddreg [dreg:$0x5]  }
0x206: {  	s0 =	sadd.s32 @!p0 $0x100000, s0  }
0x207: {  	[sflag:s0] =	ssyncadd.tile.s32 @!p0 $0x1;
	_ =	shalt  }
.Lfunc_end2:
_tile_overlayer_lowered:
.L_overlay_start_2:
0x208: {  	(tag) =	ssettag $0x2  }
0x209: {  	s0 =	rddreg [dreg:$0x0];
	s2 =	stileid.u32  }
0x20a: {  	s1 =	rddreg [dreg:$0x1];
	p0 =	sne.s32 s2, $0x0  }
0x20b: {  	s3 =	rddreg [dreg:$0x2];
	[bflag:$0x3] =	sbarrier.arrive $0xFFFF;
	s2 =	simm.s32 @!p0 $0x1C01  }
0x20c: {  	[timem:s3], [sflag:s2] =	dma.local @!p0 [hbm:s0], s1  }
0x20d: {  	s0 =	simm.s32 @!p0 $0x1  }
0x20e: {  	_ =	swait.ge @!p0 [sflag:s0], s1  }
0x20f: {  	s1 =	ssub.s32 @!p0 $0x0, s1;
	[sflag:s0] =	ssyncset.done @!p0 $0x0  }
0x210: {  	[sflag:s0] =	ssyncadd.s32 @!p0 s1  }
0x211: {  	[bflag:$0x3] =	sbarrier.arrive $0xFFFF  }
0x212: {  	_ =	shalt  }

// kernel: sparse-core-data-format-call.cloned.1.call-start
scs
called_computation_lowered:
.L_overlay_start_0:
0x0: {  	s2 =	sld [smem:$0x3FD9]  }
0x1: {  	s3 =	sld [smem:$0x3FFE];
	_ =	sdelay $0x1  }
0x2: {  	s1 =	srdreg.scid  }
0x3: {  	s0 =	sand.u32 $0x1, s1  }
0x4: {  	s15 =	sshll.u32 s0, $0xA;
	s2 =	sadd.s32 s3, s2  }
0x5: {  	s2 =	sadd.s32 s2, s15  }
0x6: {  	[smem:$0x3FC2] =	sst s2  }
0x7: {  	_ = 	snop  }
0x8: {  	s2 =	sld [smem:$0x3FD0];
	_ =	sdelay $0x2  }
0x9: {  	s16 =	simm.s32 $0xA;
	s4 =	simm.s32 $0x10  }
0xa: {  	[smem:s4], [sflag:s16] =	dma.local [hbm:s2], $0x1  }
0xb: {  	_ =	swait.eq [sflag:s16], $0x1  }
0xc: {  	[sflag:s16] =	ssyncset.done $0x0  }
0xd: {  	[sflag:s16] =	ssyncadd.s32 $0xFFFFFFFF  }
0xe: {  	s17 =	sld [smem:$0x10];
	(tm) =	ssettm $0x1  }
0xf: {  	s18 =	sld [smem:$0x3FFB];
	_ =	sdelay $0x3  }
0x10: {  	_ =	strace s18  }
0x11: {  	s3 =	sld [smem:$0x3FFC];
	_ =	sdelay $0x3  }
0x12: {  	_ =	strace s3  }
0x13: {  	s3 =	sld [smem:$0x3FFD];
	_ =	sdelay $0x3  }
0x14: {  	_ =	strace s3  }
0x15: {  	_ =	strace $0x8FFFFFFF  }
0x16: {  	s19 =	sld [smem:$0x3FDB];
	_ =	sdelay $0x1  }
0x17: {  	s20 =	simm.s32 $_scs_section_size  }
0x18: {  	s5 =	simm.s32 $_size__tile_overlayer_lowered;
	s6 =	simm.s32 $_tile_overlayer_lowered  }
0x19: {  	s23 =	simm.s32 $0x1BFF;
	s22 =	sshll.u32 s6, $0x1;
	s3 =	sadd.s32 s20, s19  }
0x1a: {  	s7 =	simm.s32 $0x0;
	s21 =	sshll.u32 s5, $0x1;
	s5 =	sadd.s32 s22, s3  }
0x1b: {  	[timem:s7], [sflag:s23] =	dma.local [hbm:s5], s21  }
0x1c: {  	_ =	swait.ge [sflag:s23], s21  }
0x1d: {  	s4 =	ssub.s32 $0x0, s21;
	[sflag:s23] =	ssyncset.done $0x0  }
0x1e: {  	[sflag:s23] =	ssyncadd.s32 s4;
	_ =	sdelay $0x1  }
0x1f: {  	s24 =	simm.s32 $0x1B8B  }
0x20: {  	_ =	swait.ge [sflag:s24], $0x1  }
0x21: {  	[sflag:s24] =	ssyncset.done $0x0  }
0x22: {  	s26 =	simm.s32 $0x1B8E;
	s25 =	sld [smem:$0x3FFE];
	[sflag:s24] =	ssyncadd.s32 $0xFFFFFFFF  }
0x23: {  	s27 =	simm.s32 $execute0_lowered;
	[smem:$0x3FD2] =	sst s26  }
0x24: {  	s5 =	sshll.u32 s27, $0x1;
	_ =	strace $0x8000004C;
	[dreg:$0x1] =	wrdreg $0xFFFFFFFF  }
0x25: {  	s28 =	simm.s32 $_size_execute0_lowered;
	s3 =	sadd.s32 s3, s5;
	[dreg:$0x0] =	wrdreg $0x0  }
0x26: {  	s5 =	sshll.u32 s28, $0x1;
	[dreg:$0x2] =	wrdreg s3  }
0x27: {  	[dreg:$0x3] =	wrdreg s5  }
0x28: {  	[dreg:$0x4] =	wrdreg $0xC0  }
0x29: {  	_ =	task [dreg:s7], $0x5FFFF  }
0x2a: {  	[dreg:$0x1] =	wrdreg $0xFFFFFFFF  }
0x2b: {  	[dreg:$0x0] =	wrdreg $0x60  }
0x2c: {  	[dreg:$0x2] =	wrdreg s25  }
0x2d: {  	[dreg:$0x3] =	wrdreg s17  }
0x2e: {  	[dreg:$0x4] =	wrdreg $0x9  }
0x2f: {  	_ =	task.clear_ibuf [dreg:s7], $0x5FFFF;
	_ =	strace $0x9000004C  }
0x30: {  	s29 =	simm.s32 $0x9;
	_ =	strace $0x8000004E  }
0x31: {  	_ =	swait.ge [sflag:s29], $0x1  }
0x32: {  	[sflag:s29] =	ssyncadd.s32 $0xFFFFFFFF  }
0x33: {  	_ =	strace $0x9000004E  }
0x34: {  	_ =	sfence  }
0x35: {  	s30 =	sld [smem:$0x0];
	_ =	sdelay $0x2  }
0x36: {  	s31 =	sshll.u32 s1, $0xD;
	s1 =	sshrl.u32 s1, $0x2  }
0x37: {  	s3 =	sand.u32 $0x4000, s31;
	s1 =	sadd.s32 s1, s30  }
0x38: {  	s0 =	sor.u32 s3, s0;
	s1 =	sshll.u32 s1, $0x11  }
0x39: {  	s0 =	sor.u32 s1, s0  }
0x3a: {  	s0 =	sadd.s32 $0x8F2B, s0  }
0x3b: {  	[sflag:s0] =	ssyncadd.remote.s32 $0x1  }
0x3c: {  	_ =	sfence.sel $0xFFFF  }
0x3d: {  	[dreg:$0x0] =	wrdreg $0xFFFFFFFF;
	(pc) =	sbr.abs _section_cstart, $3  }
0x3e: {  	[dreg:$0x1] =	wrdreg $0xFFFFFFFF  }
0x3f: {  	_ =	task.clear_ibuf [dreg:s7], $0x2FFFF;
	_ =	strace $0x9FFFFFFF  }
0x40: {  	(tm) =	ssettm $0x7FFFFFFF  }
0x41: {  	_ =	shalt  }
tec
execute0_lowered:
.L_overlay_start_1:
0x0: {  	(tag) =	ssettag $0x1  }
0x1: {  	s5 =	rddreg [dreg:$0x0]  }
0x2: {  	s0 =	srdreg.scid;
	s3 =	rddreg [dreg:$0x1]  }
0x3: {  	s31 =	simm.s32 $0x2;
	s15 =	simm.s32 $0x0;
	s1 =	sshll.u32 s0, $0x4  }
0x4: {  	s8 =	simm.s32 $0x27400;
	s0 =	stileid.u32;
	s1 =	sand.u32 $0x10, s1  }
0x5: {  	s9 =	simm.s32 $0x0;
	s14 =	simm.s32 $0x0;
	s1 =	sor.u32 s0, s1  }
0x6: {  	s16 =	simm.s32 $0x0;
	s11 =	simm.s32 $0x0;
	s2 =	sshll.u32 s1, $0x7  }
.Ltmp0:
0x7: {  	s12 =	simm.s32 $0x0;
	s4 =	ssub.s32 $0x4E00, s2;
	(pc) =	sbr.rel .LBB1_1-.Ltmp0, $4  }
0x8: {  	s13 =	simm.s32 $0x0;
	s1 =	rddreg [dreg:$0x2];
	s6 =	sshrl.u32 s4, $0xC  }
0x9: {  	_ =	strace $0x8000004D;
	s4 =	simm.s32 $0x1;
	s7 =	smul.u32 $0xF, s6  }
0xa: {  	s5 =	sadd.s32 $0x1800, s5;
	s10 =	smov.u32 s2;
	[sflag:s4] =	ssyncpa.u1 $0x0  }
0xb: {  	[sflag:s31] =	ssyncpa.u1 $0x0;
	s6 =	sadd.s32 $0xF, s7;
	s7 =	sadd.s32 $0x10, s7  }
.LBB1_5:
0xc: {  	s17 =	sadd.s32 $0x1000, s10  }
0xd: {  	s14 =	simm.s32 $0x1;
	p1 =	sgt.s32 s17, $0x4E1F  }
0xe: {  	s14 =	simm.s32 @!p1 $0x0  }
0xf: {  	s18 =	sadd.s32 s14, s11  }
0x10: {  	s20 =	smov.u32 s12;
	s14 =	sadd.s32 $0x20, s12;
	p2 =	sgt.s32 s18, $0x4  }
0x11: {  	s20 =	smov.u32 @p2 s14  }
0x12: {  	s17 =	smov.u32 @p1 s2;
	p1 =	sgt.s32 s20, $0x58  }
0x13: {  	p0 =	slt.u32 s13, $0x2;
	s20 =	simm.s32 @p1 $0x0;
	p1 =	sne.s32 s13, s7  }
.Ltmp1:
0x14: {  	s19 =	simm.s32 @!p0 $0x2;
	(pc) =	sbr.rel @!p1 .LBB1_6-.Ltmp1, $4  }
0x15: {  	s15 =	smov.u32 s10;
	s16 =	smov.u32 s12;
	_ =	swait.ge @!p0 [sflag:s19], $0x1000  }
0x16: {  	s9 =	sadd.s32 $0x1000, s9;
	[sflag:s19] =	ssyncset.done @!p0 $0x0;
	s10 =	smov.u32 s17  }
0x17: {  	[sflag:s19] =	ssyncadd.s32 @!p0 $0xFFFFF000;
	s18 =	simm.s32 @p2 $0x0;
	s14 =	smov.u32 s11  }
0x18: {  	s11 =	smov.u32 s18;
	s13 =	sadd.s32 $0x1, s13;
	s12 =	smov.u32 s20  }
.LBB1_1:
0x19: {  	p0 =	sge.u32 s13, s6;
	s21 =	smov.u32 s11  }
0x1a: {  	s22 =	smov.u32 s10;
	s17 =	sshrl.u32 @!p0 s11, $0x3;
	s18 =	sshll.u32 @!p0 s10, $0x3  }
0x1b: {  	s19 =	sshll.u32 @!p0 s11, $0x7;
	p1 =	sgt.s32 @!p0 s12, $0x39;
	s17 =	smul.u32 @!p0 $0x27400, s17  }
0x1c: {  	s20 =	sshra.s32 @!p0 s12, $0x1F;
	p2 =	sgt.s32 @!p0 s11, $0x7;
	s18 =	sand.u32 @!p0 $0xFFFFFC00, s18  }
0x1d: {  	s23 =	sshra.s32 @!p0 s10, $0x1F;
	s17 =	sadd.s32 @!p0 s17, s18;
	s18 =	sand.u32 @!p0 $0x380, s19  }
0x1e: {  	p1 =	por !p1, p0;
	s17 =	sor.u32 @!p0 s18, s17;
	s18 =	smov.u32 s12  }
0x1f: {  	s20 =	sand.u32 @!p0 s20, s12;
	s23 =	sand.u32 @!p0 s23, s10;
	s18 =	simm.s32 @p1 $0x39  }
0x20: {  	s19 =	sand.u32 @!p0 $0x7F, s10;
	p1 =	por !p2, p0;
	s18 =	ssub.s32 @!p0 s18, s20  }
0x21: {  	s21 =	simm.s32 @p1 $0x7;
	p1 =	sgt.s32 @!p0 s10, $0x4E00;
	s20 =	sshra.s32 @!p0 s11, $0x1F  }
0x22: {  	s19 =	sor.u32 @!p0 s19, s17;
	p1 =	por !p1, p0;
	s20 =	sand.u32 @!p0 s20, s11  }
0x23: {  	s17 =	smulhi.u32 @!p0 $0x342DA7F3, s17;
	s22 =	simm.s32 @p1 $0x4E00;
	s20 =	ssub.s32 @!p0 s21, s20  }
0x24: {  	s21 =	sadd.s32 @!p0 $0xFFFFFFC7, s18;
	s18 =	ssub.s32 @!p0 $0x59, s18;
	s22 =	ssub.s32 @!p0 s22, s23  }
0x25: {  	p1 =	sgt.s32 @!p0 s21, $0x1F;
	s21 =	sadd.s32 @!p0 $0xFFFFFFF9, s20;
	s20 =	ssub.s32 @!p0 $0x8, s20  }
0x26: {  	p2 =	sgt.s32 @!p0 s21, $0x0;
	s21 =	smulhi.u32 @!p0 $0x342DA7F3, s19;
	p1 =	por !p1, p0  }
0x27: {  	s23 =	sadd.s32 @!p0 $0xFFFFB200, s22;
	s18 =	simm.s32 @!p1 $0x0;
	p1 =	por !p2, p0  }
0x28: {  	p3 =	sgt.s32 @!p0 s23, $0x7F;
	s20 =	simm.s32 @!p1 $0x0;
	s21 =	sshrl.u32 @!p0 s21, $0xC  }
0x29: {  	p1 =	por !p3, p0;
	s18 =	smul.u32 @!p0 s18, s20;
	s20 =	ssub.s32 @!p0 $0x4E80, s22  }
0x2a: {  	s21 =	smul.u32 @!p0 $0x4E80, s21;
	s20 =	simm.s32 @!p1 $0x0  }
0x2b: {  	s17 =	sshrl.u32 @!p0 s17, $0xC;
	s22 =	sxor.u32 @!p0 $0xFFFFFFFF, s13;
	s18 =	smul.u32 @!p0 s20, s18  }
0x2c: {  	s17 =	sand.u32 @!p0 $0x7, s17;
	s20 =	sshll.u32 @!p0 s22, $0xC;
	s22 =	smul.u32 @!p0 $0x4E80, s12  }
0x2d: {  	s17 =	smul.u32 @!p0 $0x9D0, s17;
	s19 =	ssub.s32 @!p0 s19, s21;
	s20 =	sand.u32 @!p0 $0x1000, s20  }
0x2e: {  	s18 =	sand.u32 @!p0 $0x3FFFFFFF, s18;
	s21 =	sadd.s32 @!p0 s5, s22;
	s22 =	sand.u32 @!p0 $0x7, s19  }
0x2f: {  	s19 =	sshrl.u32 @!p0 s19, $0x3;
	s17 =	sadd.s32 @!p0 s17, s21;
	s21 =	sshll.u32 @!p0 s22, $0x12  }
0x30: {  	s17 =	sadd.s32 @!p0 s19, s17;
	s19 =	sor.u32 @!p0 $0x80, s21;
	s21 =	simm.s32 @!p0 $0x27400  }
0x31: {  	[tilespmem:s20], [sflag:$0x1] =	stream.strided.gather @!p0 [hbm4b:s17+s19], s18, s21, s19, $0x38;
	[tilespmem:$0x4000] =	vst v63  }
0x32: {  	p0 =	seq.s32 s13, $0x0  }
0x33: {  	p1 =	sge.u32 @!p0 s13, s7  }
0x34: {  	p0 =	por p0, p1  }
.Ltmp2:
0x35: {  	_ = 	snop;
	(pc) =	sbr.rel @p0 .LBB1_5-.Ltmp2, $1  }
0x36: {  	_ =	sdelay $0x3  }
0x37: {  	p0 =	sgt.s32 s16, $0x39;
	s17 =	smov.u32 s16;
	s18 =	sshra.s32 s16, $0x1F  }
0x38: {  	s17 =	simm.s32 @!p0 $0x39;
	s18 =	sand.u32 s18, s16  }
0x39: {  	s17 =	ssub.s32 s17, s18  }
0x3a: {  	p1 =	sgt.s32 s14, $0x7;
	s19 =	sshra.s32 s14, $0x1F;
	s18 =	sadd.s32 $0xFFFFFFC7, s17  }
0x3b: {  	s20 =	sshra.s32 s15, $0x1F;
	p0 =	sgt.s32 s18, $0x1F;
	s18 =	smov.u32 s14  }
0x3c: {  	s19 =	sand.u32 s19, s14;
	s20 =	sand.u32 s20, s15;
	s18 =	simm.s32 @!p1 $0x7  }
0x3d: {  	p1 =	sgt.s32 s15, $0x4E00;
	s18 =	ssub.s32 s18, s19;
	s19 =	smov.u32 s15  }
0x3e: {  	s17 =	ssub.s32 $0x59, s17;
	s21 =	sadd.s32 $0xFFFFFFF9, s18;
	s19 =	simm.s32 @!p1 $0x4E00  }
0x3f: {  	s18 =	ssub.s32 $0x8, s18;
	p1 =	sgt.s32 s21, $0x0;
	s19 =	ssub.s32 s19, s20  }
0x40: {  	s17 =	simm.s32 @p0 $0x0;
	s18 =	simm.s32 @p1 $0x0;
	s20 =	sadd.s32 $0xFFFFB200, s19  }
0x41: {  	s17 =	smul.u32 s17, s18;
	p0 =	sgt.s32 s20, $0x7F;
	s18 =	ssub.s32 $0x4E80, s19  }
0x42: {  	s28 =	sand.u32 $0x1000, s9;
	s18 =	simm.s32 @p0 $0x0  }
0x43: {  	s29 =	sor.u32 $0x70, s28;
	s17 =	smul.u32 s18, s17  }
0x44: {  	v1 =	vmov s29  }
0x45: {  	s17 =	sand.u32 $0x3FFFFFFF, s17  }
0x46: {  	_ =	swait.ge [sflag:s4], s17  }
0x47: {  	s17 =	ssub.s32 $0x0, s17;
	[sflag:s4] =	ssyncset.done $0x0  }
0x48: {  	s19 =	simm.s32 $0x0;
	[sflag:s4] =	ssyncadd.s32 s17  }
0x49: {  	s30 =	sor.u32 $0x2040, s28;
	v6 =	vld.idx.msk [tilespmem:v1+s19+$0x0 ss:$0x1], $0xffff  }
0x4a: {  	v0 =	vmov s30;
	v8 =	vld.idx.msk [tilespmem:v1+s19+$0xFFFFFF90 ss:$0x1], $0xffff  }
0x4b: {  	v7 =	vld.idx.msk [tilespmem:v1+s19+$0xFFFFFFA0 ss:$0x1], $0xffff  }
0x4c: {  	v5 =	vld.idx.msk [tilespmem:v1+s19+$0xFFFFFFB0 ss:$0x1], $0xffff  }
0x4d: {  	v4 =	vld.idx.msk [tilespmem:v1+s19+$0xFFFFFFC0 ss:$0x1], $0xffff  }
0x4e: {  	s31 =	sshll.u32 s13, $0xC;
	v2 =	vld.idx.msk [tilespmem:v1+s19+$0xFFFFFFD0 ss:$0x1], $0xffff  }
0x4f: {  	s17 =	sand.u32 $0x1000, s31;
	v3 =	vld.idx.msk [tilespmem:v1+s19+$0xFFFFFFE0 ss:$0x1], $0xffff;
	[tilespmem:v0+s19+$0x30 ss:$0x1] =	vst.idx.msk $0xffff, v6  }
0x50: {  	s20 =	simm.s32 $0x400;
	s18 =	simm.s32 $0x80;
	s17 =	sor.u32 $0x2000, s17;
	[tilespmem:v0+s19+$0xFFFFFFC0 ss:$0x1] =	vst.idx.msk $0xffff, v8;
	v6 =	vld.idx.msk [tilespmem:v1+s19+$0xFFFFFFF0 ss:$0x1], $0xffff  }
.LBB1_3:
0x51: {  	p0 =	sne.s32 s20, $0x3E00;
	v8 =	vld.idx.msk [tilespmem:v1+s18+$0x0 ss:$0x1], $0xffff;
	[tilespmem:v0+s19+$0xFFFFFFD0 ss:$0x1] =	vst.idx.msk $0xffff, v7  }
0x52: {  	v9 =	vld.idx.msk [tilespmem:v1+s18+$0xFFFFFF90 ss:$0x1], $0xffff;
	[tilespmem:v0+s19+$0xFFFFFFE0 ss:$0x1] =	vst.idx.msk $0xffff, v5  }
0x53: {  	v7 =	vld.idx.msk [tilespmem:v1+s18+$0xFFFFFFA0 ss:$0x1], $0xffff;
	[tilespmem:v0+s19+$0xFFFFFFF0 ss:$0x1] =	vst.idx.msk $0xffff, v4  }
.Ltmp3:
0x54: {  	v5 =	vld.idx.msk [tilespmem:v1+s18+$0xFFFFFFB0 ss:$0x1], $0xffff;
	[tilespmem:v0+s19+$0x0 ss:$0x1] =	vst.idx.msk $0xffff, v2;
	(pc) =	sbr.rel @p0 .LBB1_3-.Ltmp3, $4  }
0x55: {  	v4 =	vld.idx.msk [tilespmem:v1+s18+$0xFFFFFFC0 ss:$0x1], $0xffff;
	[tilespmem:v0+s19+$0x10 ss:$0x1] =	vst.idx.msk $0xffff, v3  }
0x56: {  	v2 =	vld.idx.msk [tilespmem:v1+s18+$0xFFFFFFD0 ss:$0x1], $0xffff;
	[tilespmem:v0+s19+$0x20 ss:$0x1] =	vst.idx.msk $0xffff, v6;
	s19 =	smov.u32 s18  }
0x57: {  	v3 =	vld.idx.msk [tilespmem:v1+s19+$0xFFFFFFE0 ss:$0x1], $0xffff;
	[tilespmem:v0+s19+$0x30 ss:$0x1] =	vst.idx.msk $0xffff, v8  }
0x58: {  	s18 =	sshra.s32 s20, $0x2;
	s20 =	sadd.s32 $0x200, s20;
	[tilespmem:v0+s19+$0xFFFFFFC0 ss:$0x1] =	vst.idx.msk $0xffff, v9;
	v6 =	vld.idx.msk [tilespmem:v1+s19+$0xFFFFFFF0 ss:$0x1], $0xffff  }
0x59: {  	s20 =	sshrl.u32 s16, $0x3  }
0x5a: {  	s21 =	sshll.u32 s15, $0x3;
	s20 =	smul.u32 $0x27400, s20  }
0x5b: {  	s25 =	sshll.u32 s16, $0x7;
	s21 =	sand.u32 $0xFFFFFC00, s21  }
0x5c: {  	s16 =	sand.u32 $0x380, s25;
	s20 =	sadd.s32 s20, s21  }
0x5d: {  	[tilespmem:v0+s19+$0xFFFFFFD0 ss:$0x1] =	vst.idx.msk $0xffff, v7;
	s16 =	sor.u32 s16, s20  }
0x5e: {  	v56 =	vld.idx.msk [tilespmem:v1+s18+$0x0 ss:$0x1], $0xffff;
	[tilespmem:v0+s19+$0xFFFFFFE0 ss:$0x1] =	vst.idx.msk $0xffff, v5;
	s20 =	smulhi.u32 $0x342DA7F3, s16  }
0x5f: {  	v57 =	vld.idx.msk [tilespmem:v1+s18+$0xFFFFFF90 ss:$0x1], $0xffff;
	[tilespmem:v0+s19+$0xFFFFFFF0 ss:$0x1] =	vst.idx.msk $0xffff, v4  }
0x60: {  	s26 =	sand.u32 $0x7F, s15;
	v58 =	vld.idx.msk [tilespmem:v1+s18+$0xFFFFFFA0 ss:$0x1], $0xffff;
	[tilespmem:v0+s19+$0x0 ss:$0x1] =	vst.idx.msk $0xffff, v2;
	s20 =	sshrl.u32 s20, $0xC  }
0x61: {  	v59 =	vld.idx.msk [tilespmem:v1+s18+$0xFFFFFFB0 ss:$0x1], $0xffff;
	[tilespmem:v0+s19+$0x10 ss:$0x1] =	vst.idx.msk $0xffff, v3;
	s15 =	sor.u32 s26, s16;
	s27 =	smulhi.u32 $0x2AAAAAB, s20  }
0x62: {  	v60 =	vld.idx.msk [tilespmem:v1+s18+$0xFFFFFFC0 ss:$0x1], $0xffff;
	[tilespmem:v0+s19+$0x20 ss:$0x1] =	vst.idx.msk $0xffff, v6;
	s16 =	smulhi.u32 $0x342DA7F3, s15  }
0x63: {  	v61 =	vld.idx.msk [tilespmem:v1+s18+$0xFFFFFFD0 ss:$0x1], $0xffff;
	[tilespmem:v0+s18+$0x30 ss:$0x1] =	vst.idx.msk $0xffff, v56;
	s19 =	smul.u32 $0x60, s27  }
0x64: {  	v62 =	vld.idx.msk [tilespmem:v1+s18+$0xFFFFFFE0 ss:$0x1], $0xffff;
	s14 =	smul.u32 $0x3AE00, s14;
	[tilespmem:v0+s18+$0xFFFFFFC0 ss:$0x1] =	vst.idx.msk $0xffff, v57;
	s16 =	sshrl.u32 s16, $0xC  }
0x65: {  	v63 =	vld.idx.msk [tilespmem:v1+s18+$0xFFFFFFF0 ss:$0x1], $0xffff;
	[tilespmem:v0+s18+$0xFFFFFFD0 ss:$0x1] =	vst.idx.msk $0xffff, v58;
	s16 =	smul.u32 $0x4E80, s16;
	s19 =	ssub.s32 s20, s19  }
0x66: {  	[tilespmem:v0+s18+$0xFFFFFFE0 ss:$0x1] =	vst.idx.msk $0xffff, v59;
	s28 =	smul.u32 $0x9D0, s19  }
.Ltmp4:
0x67: {  	[tilespmem:v0+s18+$0xFFFFFFF0 ss:$0x1] =	vst.idx.msk $0xffff, v60;
	s15 =	ssub.s32 s15, s16;
	(pc) =	sbr.rel .LBB1_5-.Ltmp4, $4  }
0x68: {  	s14 =	sadd.s32 s3, s14;
	[tilespmem:v0+s18+$0x0 ss:$0x1] =	vst.idx.msk $0xffff, v61;
	s29 =	sand.u32 $0x7, s15  }
0x69: {  	[tilespmem:v0+s18+$0x10 ss:$0x1] =	vst.idx.msk $0xffff, v62;
	s15 =	sshrl.u32 s15, $0x3;
	s30 =	sshll.u32 s29, $0x12;
	s14 =	sadd.s32 s28, s14  }
0x6a: {  	[tilespmem:v0+s18+$0x20 ss:$0x1] =	vst.idx.msk $0xffff, v63;
	s31 =	sor.u32 $0x400, s30;
	s14 =	sadd.s32 s15, s14  }
0x6b: {  	[hbm4b:s14+s31] =	stream.strided.scatter [tilespmem:s17], [sflag:$0x2], $0x1000, s8, s31, $0x38;
	[tilespmem:$0x4000] =	vst v63  }
.LBB1_6:
0x6c: {  	_ =	sfence.sel $0x180000  }
0x6d: {  	s2 =	simm.s32 $0x1;
	[bflag:$0x0] =	sbarrier.arrive $0xFFFF  }
0x6e: {  	s31 =	simm.s32 $0x2;
	[sflag:s2] =	ssyncpa.u1 $0x1  }
0x6f: {  	[sflag:s31] =	ssyncpa.u1 $0x1  }
0x70: {  	p0 =	sne.s32 s0, $0x0;
	_ =	strace $0x9000004D  }
0x71: {  	s0 =	sadd.s32 @!p0 $0x100000, s1;
	[bflag:$0x2] =	sbarrier.arrive $0xFFFF  }
0x72: {  	[sflag:s0] =	ssyncadd.tile.s32 @!p0 $0x1;
	_ =	shalt  }
.Lfunc_end1:
_tile_overlayer_lowered:
.L_overlay_start_2:
0x73: {  	(tag) =	ssettag $0x2  }
0x74: {  	s0 =	rddreg [dreg:$0x0];
	s2 =	stileid.u32  }
0x75: {  	s1 =	rddreg [dreg:$0x1];
	p0 =	sne.s32 s2, $0x0  }
0x76: {  	s3 =	rddreg [dreg:$0x2];
	[bflag:$0x3] =	sbarrier.arrive $0xFFFF;
	s2 =	simm.s32 @!p0 $0x1C01  }
0x77: {  	[timem:s3], [sflag:s2] =	dma.local @!p0 [hbm:s0], s1  }
0x78: {  	s0 =	simm.s32 @!p0 $0x1  }
0x79: {  	_ =	swait.ge @!p0 [sflag:s0], s1  }
0x7a: {  	s1 =	ssub.s32 @!p0 $0x0, s1;
	[sflag:s0] =	ssyncset.done @!p0 $0x0  }
0x7b: {  	[sflag:s0] =	ssyncadd.s32 @!p0 s1  }
0x7c: {  	[bflag:$0x3] =	sbarrier.arrive $0xFFFF  }
0x7d: {  	_ =	shalt  }

</sc_bundles>
